<compile_context>
chip_gen: v7x
topology: tpu7x:2x2x1
jax: 0.10.2.dev20260603
libtpu: 0.0.44.dev20260713+nightly
codegen_flags: <defaults>
</compile_context>

<pallas_src>
import jax
import jax.numpy as jnp
from jax import lax
from jax.experimental import pallas as pl
from jax.experimental.pallas import tpu as pltpu
from jax.experimental.pallas import tpu_sc as plsc

N = 262144
D = 64
C = 85
L = 16
NC = 2
NS = 16
NW = NC * NS
ROWS_PER_W = N // NW
CHUNK = 128
N_CHUNKS = ROWS_PER_W // CHUNK
NBUF = 4
UNROLL = 4


def _sc_body(labels_hbm, features_hbm, centers_hbm, out_hbm, *scr):
    c_spmem = scr[3 * NBUF + 1 + 3 * NBUF]
    csem = scr[3 * NBUF + 2 + 3 * NBUF]
    lbufs = scr[0:NBUF]
    fbufs = scr[NBUF:2 * NBUF]
    cbufs = scr[2 * NBUF:3 * NBUF]
    acc_v = scr[3 * NBUF]
    lsems = scr[3 * NBUF + 1:3 * NBUF + 1 + NBUF]
    gsems = scr[3 * NBUF + 1 + NBUF:3 * NBUF + 1 + 2 * NBUF]
    fsems = scr[3 * NBUF + 1 + 2 * NBUF:3 * NBUF + 1 + 3 * NBUF]

    wid = lax.axis_index("s") * NC + lax.axis_index("c")
    base = wid * ROWS_PER_W

    def issue_label(ci, b):
        pltpu.async_copy(labels_hbm.at[pl.ds(base + ci * CHUNK, CHUNK)],
                         lbufs[b], lsems[b])

    def issue_gather(ci, b):
        del ci
        pltpu.async_copy(c_spmem.at[lbufs[b]], cbufs[b], gsems[b])

    def issue_feat(ci, b):
        pltpu.async_copy(features_hbm.at[pl.ds(base + ci * CHUNK, CHUNK), :],
                         fbufs[b], fsems[b])

    def wait_label(b):
        pltpu.make_async_copy(labels_hbm.at[pl.ds(base, CHUNK)],
                              lbufs[b], lsems[b]).wait()

    def wait_gather(b):
        pltpu.make_async_copy(c_spmem.at[lbufs[b]],
                              cbufs[b], gsems[b]).wait()

    def wait_feat(b):
        pltpu.make_async_copy(features_hbm.at[pl.ds(base, CHUNK), :],
                              fbufs[b], fsems[b]).wait()

    @pl.when(lax.axis_index("s") == 0)
    def _():
        pltpu.async_copy(centers_hbm, c_spmem, csem)
        pltpu.make_async_copy(centers_hbm, c_spmem, csem).wait()
    plsc.subcore_barrier()

    for j in range(NBUF):
        issue_label(j, j)
    for j in range(2):
        wait_label(j)
        issue_gather(j, j)
        issue_feat(j, j)

    def compute_chunk(fb, cb, accs):
        def load_row(i):
            return (fb[i, pl.ds(0, L)], fb[i, pl.ds(L, L)],
                    fb[i, pl.ds(2 * L, L)], fb[i, pl.ds(3 * L, L)],
                    cb[i, pl.ds(0, L)], cb[i, pl.ds(L, L)],
                    cb[i, pl.ds(2 * L, L)], cb[i, pl.ds(3 * L, L)])

        def fma_step(accs, row):
            a0, a1, a2, a3 = accs
            f0, f1, f2, f3, c0, c1, c2, c3 = row
            d0 = f0 - c0
            d1 = f1 - c1
            d2 = f2 - c2
            d3 = f3 - c3
            return (a0 + d0 * d0, a1 + d1 * d1,
                    a2 + d2 * d2, a3 + d3 * d3)

        def row_body(t, carry):
            accs = carry[:4]
            row = carry[4:]
            nrow = load_row(t + 1)
            return fma_step(accs, row) + nrow

        carry = accs + load_row(0)
        carry = lax.fori_loop(0, CHUNK - 1, row_body, carry)
        return fma_step(carry[:4], carry[4:])

    def outer_body(q, accs):
        for b in range(NBUF):
            ci = q * NBUF + b
            wait_gather(b)
            wait_feat(b)
            b2 = (b + 2) % NBUF

            @pl.when(ci + 2 < N_CHUNKS)
            def _():
                wait_label(b2)
                issue_gather(ci + 2, b2)
                issue_feat(ci + 2, b2)

            @pl.when(ci + NBUF < N_CHUNKS)
            def _():
                issue_label(ci + NBUF, b)

            accs = compute_chunk(fbufs[b], cbufs[b], accs)
        return accs

    zero = jnp.zeros((L,), jnp.float32)
    a0, a1, a2, a3 = lax.fori_loop(0, N_CHUNKS // NBUF, outer_body,
                                   (zero, zero, zero, zero))
    acc_v[...] = (a0 + a1) + (a2 + a3)
    pltpu.sync_copy(acc_v, out_hbm.at[wid])


@jax.jit
def _center_loss(labels, features, centers):
    mesh = plsc.VectorSubcoreMesh(core_axis_name="c", subcore_axis_name="s")
    scratch = (
        [pltpu.VMEM((CHUNK,), jnp.int32) for _ in range(NBUF)]
        + [pltpu.VMEM((CHUNK, D), jnp.float32) for _ in range(NBUF)]
        + [pltpu.VMEM((CHUNK, D), jnp.float32) for _ in range(NBUF)]
        + [pltpu.VMEM((L,), jnp.float32)]
        + [pltpu.SemaphoreType.DMA for _ in range(3 * NBUF)]
        + [pltpu.VMEM_SHARED((C, D), jnp.float32)]
        + [pltpu.SemaphoreType.DMA]
    )
    partials = pl.kernel(
        _sc_body,
        out_type=jax.ShapeDtypeStruct((NW, L), jnp.float32),
        mesh=mesh,
        scratch_types=scratch,
        compiler_params=pltpu.CompilerParams(use_tc_tiling_on_sc=False),
    )(labels, features, centers)
    return 0.5 * jnp.sum(partials)


def kernel(labels, features, preds, centers):
    del preds
    return _center_loss(labels, features, centers)

# --- scband reference (transcript-rebuilt; emitter-appended) ---
"""Pipeline reference for scband-center-ctcloss-87600152969910 (READ-ONLY COPY).

The authoritative reference and input builder live on the scoring server;
editing this copy changes nothing except your own understanding.
"""

import jax, jax.numpy as jnp
import numpy as np

N_CLASS = 85
FEAT_DIMS = 64
N = 262144
ALPHA = 0.05


def setup_inputs(seed: int = 0) -> dict:
    key = jax.random.key(seed)
    k1, k2, k3, k4 = jax.random.split(key, 4)
    labels = jax.random.randint(k1, (N,), 0, N_CLASS, dtype=jnp.int32)
    features = jax.random.normal(k2, (N, FEAT_DIMS), dtype=jnp.float32)
    preds = jax.random.normal(k3, (N, N_CLASS), dtype=jnp.float32)
    # 'centers' is a non-trainable variable in the Keras layer (init zeros);
    # materialized here with random values so the loss is non-degenerate.
    centers = jax.random.normal(k4, (N_CLASS, FEAT_DIMS), dtype=jnp.float32)
    return {"labels": labels, "features": features, "preds": preds, "centers": centers}


def reference(labels, features, preds, centers):
    # Faithful translation of the value-producing path of CenterCTCLoss.call:
    #   centers_batch = tf.gather(self.centers, labels)
    #   loss = tf.nn.l2_loss(features - centers_batch)  # 0.5 * sum(sq)
    # (preds2features / unique_with_counts / assign_sub are stateful side
    #  effects on variables executed AFTER the loss read of `centers`, so they
    #  do not affect the returned loss; `preds` is unpacked but unused.)
    centers_batch = jnp.take(centers, labels, axis=0)
    diff = features - centers_batch
    loss = 0.5 * jnp.sum(diff * diff)
    return loss

if __name__ == "__main__":
    import jax
    _d = setup_inputs()
    print(jax.jit(kernel)(*tuple(_d.values())))

</pallas_src>

<mosaic_0001>
#map = affine_map<(d0, d1) -> (0)>
#map1 = affine_map<(d0, d1) -> (0, 0)>
module attributes {stable_mosaic.version = 14 : i64} {
  func.func @_sc_body(%arg0: i32, %arg1: i32, %arg2: memref<262144xi32, #tpu.memory_space<hbm>>, %arg3: memref<262144x64xf32, #tpu.memory_space<hbm>>, %arg4: memref<85x64xf32, #tpu.memory_space<hbm>>, %arg5: memref<32x16xf32, #tpu.memory_space<hbm>>, %arg6: memref<128xi32, #tpu.memory_space<vmem>>, %arg7: memref<128xi32, #tpu.memory_space<vmem>>, %arg8: memref<128xi32, #tpu.memory_space<vmem>>, %arg9: memref<128xi32, #tpu.memory_space<vmem>>, %arg10: memref<128x64xf32, #tpu.memory_space<vmem>>, %arg11: memref<128x64xf32, #tpu.memory_space<vmem>>, %arg12: memref<128x64xf32, #tpu.memory_space<vmem>>, %arg13: memref<128x64xf32, #tpu.memory_space<vmem>>, %arg14: memref<128x64xf32, #tpu.memory_space<vmem>>, %arg15: memref<128x64xf32, #tpu.memory_space<vmem>>, %arg16: memref<128x64xf32, #tpu.memory_space<vmem>>, %arg17: memref<128x64xf32, #tpu.memory_space<vmem>>, %arg18: memref<16xf32, #tpu.memory_space<vmem>>, %arg19: memref<!tpu.dma_semaphore, #tpu.memory_space<semaphore_mem>>, %arg20: memref<!tpu.dma_semaphore, #tpu.memory_space<semaphore_mem>>, %arg21: memref<!tpu.dma_semaphore, #tpu.memory_space<semaphore_mem>>, %arg22: memref<!tpu.dma_semaphore, #tpu.memory_space<semaphore_mem>>, %arg23: memref<!tpu.dma_semaphore, #tpu.memory_space<semaphore_mem>>, %arg24: memref<!tpu.dma_semaphore, #tpu.memory_space<semaphore_mem>>, %arg25: memref<!tpu.dma_semaphore, #tpu.memory_space<semaphore_mem>>, %arg26: memref<!tpu.dma_semaphore, #tpu.memory_space<semaphore_mem>>, %arg27: memref<!tpu.dma_semaphore, #tpu.memory_space<semaphore_mem>>, %arg28: memref<!tpu.dma_semaphore, #tpu.memory_space<semaphore_mem>>, %arg29: memref<!tpu.dma_semaphore, #tpu.memory_space<semaphore_mem>>, %arg30: memref<!tpu.dma_semaphore, #tpu.memory_space<semaphore_mem>>, %arg31: memref<85x64xf32, #tpu.memory_space<vmem_shared>>, %arg32: memref<!tpu.dma_semaphore, #tpu.memory_space<semaphore_mem>>) attributes {dimension_semantics = [#tpu.dimension_semantics<core_parallel>, #tpu.dimension_semantics<subcore_parallel>], iteration_bounds = array<i64: 2, 16>, scalar_prefetch = 0 : i64, scratch_operands = 27 : i64, tpu.core_type = #tpu.core_type<sc_vector_subcore>, window_params = [{transform_indices = #map}, {transform_indices = #map1}, {transform_indices = #map1}, {transform_indices = #map1}]} {
    %mul3A = arith.constant 2 : i32
    %mul3A_0 = arith.muli %arg1, %mul3A : i32
    %add3A = arith.addi %mul3A_0, %arg0 : i32
    %mul3A_1 = arith.constant 8192 : i32
    %mul3A_2 = arith.muli %add3A, %mul3A_1 : i32
    %eq3A = arith.constant 0 : i32
    %eq3A_3 = arith.cmpi eq, %arg1, %eq3A : i32
    %convert_element_type3A = arith.extui %eq3A_3 : i1 to i32
    %cond3A = arith.constant 0 : i32
    %cond3A_4 = arith.cmpi ne, %convert_element_type3A, %cond3A : i32
    scf.if %cond3A_4 {
      tpu.enqueue_dma source(%arg4 : memref<85x64xf32, #tpu.memory_space<hbm>>) target(%arg31 : memref<85x64xf32, #tpu.memory_space<vmem_shared>>) target_semaphore(%arg32 : memref<!tpu.dma_semaphore, #tpu.memory_space<semaphore_mem>>)
      tpu.wait_dma2 semaphore(%arg32 : memref<!tpu.dma_semaphore, #tpu.memory_space<semaphore_mem>>) src(%arg4 : memref<85x64xf32, #tpu.memory_space<hbm>>) dst(%arg31 : memref<85x64xf32, #tpu.memory_space<vmem_shared>>)
    } else {
    }
    %barrier3A = arith.constant 0 : index
    tpu.barrier barrier_id(%barrier3A)
    %add3A_5 = arith.constant 0 : i32
    %add3A_6 = arith.addi %mul3A_2, %add3A_5 : i32
    %dma_start3A = tpu.memref_slice %arg2[%add3A_6] : memref<262144xi32, #tpu.memory_space<hbm>> -> memref<128xi32, #tpu.memory_space<hbm>>
    %dma_start3A_7 = tpu.memref_slice %arg2[%add3A_6] : memref<262144xi32, #tpu.memory_space<hbm>> -> memref<128xi32, #tpu.memory_space<hbm>>
    tpu.enqueue_dma source(%dma_start3A_7 : memref<128xi32, #tpu.memory_space<hbm>>) target(%arg6 : memref<128xi32, #tpu.memory_space<vmem>>) target_semaphore(%arg19 : memref<!tpu.dma_semaphore, #tpu.memory_space<semaphore_mem>>)
    %add3A_8 = arith.constant 128 : i32
    %add3A_9 = arith.addi %mul3A_2, %add3A_8 : i32
    %dma_start3A_10 = tpu.memref_slice %arg2[%add3A_9] : memref<262144xi32, #tpu.memory_space<hbm>> -> memref<128xi32, #tpu.memory_space<hbm>>
    %dma_start3A_11 = tpu.memref_slice %arg2[%add3A_9] : memref<262144xi32, #tpu.memory_space<hbm>> -> memref<128xi32, #tpu.memory_space<hbm>>
    tpu.enqueue_dma source(%dma_start3A_11 : memref<128xi32, #tpu.memory_space<hbm>>) target(%arg7 : memref<128xi32, #tpu.memory_space<vmem>>) target_semaphore(%arg20 : memref<!tpu.dma_semaphore, #tpu.memory_space<semaphore_mem>>)
    %add3A_12 = arith.constant 256 : i32
    %add3A_13 = arith.addi %mul3A_2, %add3A_12 : i32
    %dma_start3A_14 = tpu.memref_slice %arg2[%add3A_13] : memref<262144xi32, #tpu.memory_space<hbm>> -> memref<128xi32, #tpu.memory_space<hbm>>
    %dma_start3A_15 = tpu.memref_slice %arg2[%add3A_13] : memref<262144xi32, #tpu.memory_space<hbm>> -> memref<128xi32, #tpu.memory_space<hbm>>
    tpu.enqueue_dma source(%dma_start3A_15 : memref<128xi32, #tpu.memory_space<hbm>>) target(%arg8 : memref<128xi32, #tpu.memory_space<vmem>>) target_semaphore(%arg21 : memref<!tpu.dma_semaphore, #tpu.memory_space<semaphore_mem>>)
    %add3A_16 = arith.constant 384 : i32
    %add3A_17 = arith.addi %mul3A_2, %add3A_16 : i32
    %dma_start3A_18 = tpu.memref_slice %arg2[%add3A_17] : memref<262144xi32, #tpu.memory_space<hbm>> -> memref<128xi32, #tpu.memory_space<hbm>>
    %dma_start3A_19 = tpu.memref_slice %arg2[%add3A_17] : memref<262144xi32, #tpu.memory_space<hbm>> -> memref<128xi32, #tpu.memory_space<hbm>>
    tpu.enqueue_dma source(%dma_start3A_19 : memref<128xi32, #tpu.memory_space<hbm>>) target(%arg9 : memref<128xi32, #tpu.memory_space<vmem>>) target_semaphore(%arg22 : memref<!tpu.dma_semaphore, #tpu.memory_space<semaphore_mem>>)
    %dma_wait3A = tpu.memref_slice %arg2[%mul3A_2] : memref<262144xi32, #tpu.memory_space<hbm>> -> memref<128xi32, #tpu.memory_space<hbm>>
    %dma_wait3A_20 = tpu.memref_slice %arg2[%mul3A_2] : memref<262144xi32, #tpu.memory_space<hbm>> -> memref<128xi32, #tpu.memory_space<hbm>>
    tpu.wait_dma2 semaphore(%arg19 : memref<!tpu.dma_semaphore, #tpu.memory_space<semaphore_mem>>) src(%dma_wait3A_20 : memref<128xi32, #tpu.memory_space<hbm>>) dst(%arg6 : memref<128xi32, #tpu.memory_space<vmem>>)
    %dma_start3A_21 = arith.constant 0 : i32
    %dma_start3A_22 = arith.constant 0 : i32
    %dma_start3A_23 = tpu.memref_slice %arg31[%dma_start3A_21, %dma_start3A_22] : memref<85x64xf32, #tpu.memory_space<vmem_shared>> -> memref<85x64xf32, #tpu.memory_space<vmem_shared>>
    tpu.enqueue_indirect_dma source(%dma_start3A_23 : memref<85x64xf32, #tpu.memory_space<vmem_shared>>) target(%arg14 : memref<128x64xf32, #tpu.memory_space<vmem>>) offsets(%arg6 : memref<128xi32, #tpu.memory_space<vmem>>) semaphore(%arg23 : memref<!tpu.dma_semaphore, #tpu.memory_space<semaphore_mem>>)
    %add3A_24 = arith.constant 0 : i32
    %add3A_25 = arith.addi %mul3A_2, %add3A_24 : i32
    %dma_start3A_26 = arith.constant 0 : i32
    %dma_start3A_27 = tpu.memref_slice %arg3[%add3A_25, %dma_start3A_26] : memref<262144x64xf32, #tpu.memory_space<hbm>> -> memref<128x64xf32, #tpu.memory_space<hbm>>
    %dma_start3A_28 = arith.constant 0 : i32
    %dma_start3A_29 = tpu.memref_slice %arg3[%add3A_25, %dma_start3A_28] : memref<262144x64xf32, #tpu.memory_space<hbm>> -> memref<128x64xf32, #tpu.memory_space<hbm>>
    tpu.enqueue_dma source(%dma_start3A_29 : memref<128x64xf32, #tpu.memory_space<hbm>>) target(%arg10 : memref<128x64xf32, #tpu.memory_space<vmem>>) target_semaphore(%arg27 : memref<!tpu.dma_semaphore, #tpu.memory_space<semaphore_mem>>)
    %dma_wait3A_30 = tpu.memref_slice %arg2[%mul3A_2] : memref<262144xi32, #tpu.memory_space<hbm>> -> memref<128xi32, #tpu.memory_space<hbm>>
    %dma_wait3A_31 = tpu.memref_slice %arg2[%mul3A_2] : memref<262144xi32, #tpu.memory_space<hbm>> -> memref<128xi32, #tpu.memory_space<hbm>>
    tpu.wait_dma2 semaphore(%arg20 : memref<!tpu.dma_semaphore, #tpu.memory_space<semaphore_mem>>) src(%dma_wait3A_31 : memref<128xi32, #tpu.memory_space<hbm>>) dst(%arg7 : memref<128xi32, #tpu.memory_space<vmem>>)
    %dma_start3A_32 = arith.constant 0 : i32
    %dma_start3A_33 = arith.constant 0 : i32
    %dma_start3A_34 = tpu.memref_slice %arg31[%dma_start3A_32, %dma_start3A_33] : memref<85x64xf32, #tpu.memory_space<vmem_shared>> -> memref<85x64xf32, #tpu.memory_space<vmem_shared>>
    tpu.enqueue_indirect_dma source(%dma_start3A_34 : memref<85x64xf32, #tpu.memory_space<vmem_shared>>) target(%arg15 : memref<128x64xf32, #tpu.memory_space<vmem>>) offsets(%arg7 : memref<128xi32, #tpu.memory_space<vmem>>) semaphore(%arg24 : memref<!tpu.dma_semaphore, #tpu.memory_space<semaphore_mem>>)
    %add3A_35 = arith.constant 128 : i32
    %add3A_36 = arith.addi %mul3A_2, %add3A_35 : i32
    %dma_start3A_37 = arith.constant 0 : i32
    %dma_start3A_38 = tpu.memref_slice %arg3[%add3A_36, %dma_start3A_37] : memref<262144x64xf32, #tpu.memory_space<hbm>> -> memref<128x64xf32, #tpu.memory_space<hbm>>
    %dma_start3A_39 = arith.constant 0 : i32
    %dma_start3A_40 = tpu.memref_slice %arg3[%add3A_36, %dma_start3A_39] : memref<262144x64xf32, #tpu.memory_space<hbm>> -> memref<128x64xf32, #tpu.memory_space<hbm>>
    tpu.enqueue_dma source(%dma_start3A_40 : memref<128x64xf32, #tpu.memory_space<hbm>>) target(%arg11 : memref<128x64xf32, #tpu.memory_space<vmem>>) target_semaphore(%arg28 : memref<!tpu.dma_semaphore, #tpu.memory_space<semaphore_mem>>)
    %broadcast_in_dim3A = arith.constant 0.000000e+00 : f32
    %broadcast_in_dim3A_41 = vector.broadcast %broadcast_in_dim3A : f32 to vector<16xf32>
    %scan3A = arith.constant 0 : i32
    %scan3A_42 = arith.constant 16 : i32
    %scan3A_43 = arith.addi %scan3A, %scan3A_42 : i32
    %scan3A_44 = arith.constant 1 : i32
    %scan3A_45:4 = scf.for %scan3A_53 = %scan3A to %scan3A_43 step %scan3A_44 iter_args(%scan3A_54 = %broadcast_in_dim3A_41, %scan3A_55 = %broadcast_in_dim3A_41, %scan3A_56 = %broadcast_in_dim3A_41, %scan3A_57 = %broadcast_in_dim3A_41) -> (vector<16xf32>, vector<16xf32>, vector<16xf32>, vector<16xf32>)  : i32 {
      %mul3A_58 = arith.constant 4 : i32
      %mul3A_59 = arith.muli %scan3A_53, %mul3A_58 : i32
      %add3A_60 = arith.constant 0 : i32
      %add3A_61 = arith.addi %mul3A_59, %add3A_60 : i32
      %dma_wait3A_62 = arith.constant 0 : i32
      %dma_wait3A_63 = arith.constant 0 : i32
      %dma_wait3A_64 = tpu.memref_slice %arg31[%dma_wait3A_62, %dma_wait3A_63] : memref<85x64xf32, #tpu.memory_space<vmem_shared>> -> memref<85x64xf32, #tpu.memory_space<vmem_shared>>
      tpu.wait_indirect_dma semaphore(%arg23 : memref<!tpu.dma_semaphore, #tpu.memory_space<semaphore_mem>>) src(%dma_wait3A_64 : memref<85x64xf32, #tpu.memory_space<vmem_shared>>) dst(%arg14 : memref<128x64xf32, #tpu.memory_space<vmem>>)
      %dma_wait3A_65 = arith.constant 0 : i32
      %dma_wait3A_66 = tpu.memref_slice %arg3[%mul3A_2, %dma_wait3A_65] : memref<262144x64xf32, #tpu.memory_space<hbm>> -> memref<128x64xf32, #tpu.memory_space<hbm>>
      %dma_wait3A_67 = arith.constant 0 : i32
      %dma_wait3A_68 = tpu.memref_slice %arg3[%mul3A_2, %dma_wait3A_67] : memref<262144x64xf32, #tpu.memory_space<hbm>> -> memref<128x64xf32, #tpu.memory_space<hbm>>
      tpu.wait_dma2 semaphore(%arg27 : memref<!tpu.dma_semaphore, #tpu.memory_space<semaphore_mem>>) src(%dma_wait3A_68 : memref<128x64xf32, #tpu.memory_space<hbm>>) dst(%arg10 : memref<128x64xf32, #tpu.memory_space<vmem>>)
      %add3A_69 = arith.constant 2 : i32
      %add3A_70 = arith.addi %add3A_61, %add3A_69 : i32
      %lt3A = arith.constant 64 : i32
      %lt3A_71 = arith.cmpi slt, %add3A_70, %lt3A : i32
      %convert_element_type3A_72 = arith.extui %lt3A_71 : i1 to i32
      %cond3A_73 = arith.constant 0 : i32
      %cond3A_74 = arith.cmpi ne, %convert_element_type3A_72, %cond3A_73 : i32
      scf.if %cond3A_74 {
        %dma_wait3A_387 = tpu.memref_slice %arg2[%mul3A_2] : memref<262144xi32, #tpu.memory_space<hbm>> -> memref<128xi32, #tpu.memory_space<hbm>>
        %dma_wait3A_388 = tpu.memref_slice %arg2[%mul3A_2] : memref<262144xi32, #tpu.memory_space<hbm>> -> memref<128xi32, #tpu.memory_space<hbm>>
        tpu.wait_dma2 semaphore(%arg21 : memref<!tpu.dma_semaphore, #tpu.memory_space<semaphore_mem>>) src(%dma_wait3A_388 : memref<128xi32, #tpu.memory_space<hbm>>) dst(%arg8 : memref<128xi32, #tpu.memory_space<vmem>>)
        %add3A_389 = arith.constant 2 : i32
        %add3A_390 = arith.addi %add3A_61, %add3A_389 : i32
        %dma_start3A_391 = arith.constant 0 : i32
        %dma_start3A_392 = arith.constant 0 : i32
        %dma_start3A_393 = tpu.memref_slice %arg31[%dma_start3A_391, %dma_start3A_392] : memref<85x64xf32, #tpu.memory_space<vmem_shared>> -> memref<85x64xf32, #tpu.memory_space<vmem_shared>>
        tpu.enqueue_indirect_dma source(%dma_start3A_393 : memref<85x64xf32, #tpu.memory_space<vmem_shared>>) target(%arg16 : memref<128x64xf32, #tpu.memory_space<vmem>>) offsets(%arg8 : memref<128xi32, #tpu.memory_space<vmem>>) semaphore(%arg25 : memref<!tpu.dma_semaphore, #tpu.memory_space<semaphore_mem>>)
        %add3A_394 = arith.constant 2 : i32
        %add3A_395 = arith.addi %add3A_61, %add3A_394 : i32
        %mul3A_396 = arith.constant 128 : i32
        %mul3A_397 = arith.muli %add3A_395, %mul3A_396 : i32
        %add3A_398 = arith.addi %mul3A_2, %mul3A_397 : i32
        %dma_start3A_399 = arith.constant 0 : i32
        %dma_start3A_400 = tpu.memref_slice %arg3[%add3A_398, %dma_start3A_399] : memref<262144x64xf32, #tpu.memory_space<hbm>> -> memref<128x64xf32, #tpu.memory_space<hbm>>
        %dma_start3A_401 = arith.constant 0 : i32
        %dma_start3A_402 = tpu.memref_slice %arg3[%add3A_398, %dma_start3A_401] : memref<262144x64xf32, #tpu.memory_space<hbm>> -> memref<128x64xf32, #tpu.memory_space<hbm>>
        tpu.enqueue_dma source(%dma_start3A_402 : memref<128x64xf32, #tpu.memory_space<hbm>>) target(%arg12 : memref<128x64xf32, #tpu.memory_space<vmem>>) target_semaphore(%arg29 : memref<!tpu.dma_semaphore, #tpu.memory_space<semaphore_mem>>)
      } else {
      }
      %add3A_75 = arith.constant 4 : i32
      %add3A_76 = arith.addi %add3A_61, %add3A_75 : i32
      %lt3A_77 = arith.constant 64 : i32
      %lt3A_78 = arith.cmpi slt, %add3A_76, %lt3A_77 : i32
      %convert_element_type3A_79 = arith.extui %lt3A_78 : i1 to i32
      %cond3A_80 = arith.constant 0 : i32
      %cond3A_81 = arith.cmpi ne, %convert_element_type3A_79, %cond3A_80 : i32
      scf.if %cond3A_81 {
        %add3A_387 = arith.constant 4 : i32
        %add3A_388 = arith.addi %add3A_61, %add3A_387 : i32
        %mul3A_389 = arith.constant 128 : i32
        %mul3A_390 = arith.muli %add3A_388, %mul3A_389 : i32
        %add3A_391 = arith.addi %mul3A_2, %mul3A_390 : i32
        %dma_start3A_392 = tpu.memref_slice %arg2[%add3A_391] : memref<262144xi32, #tpu.memory_space<hbm>> -> memref<128xi32, #tpu.memory_space<hbm>>
        %dma_start3A_393 = tpu.memref_slice %arg2[%add3A_391] : memref<262144xi32, #tpu.memory_space<hbm>> -> memref<128xi32, #tpu.memory_space<hbm>>
        tpu.enqueue_dma source(%dma_start3A_393 : memref<128xi32, #tpu.memory_space<hbm>>) target(%arg6 : memref<128xi32, #tpu.memory_space<vmem>>) target_semaphore(%arg19 : memref<!tpu.dma_semaphore, #tpu.memory_space<semaphore_mem>>)
      } else {
      }
      %get3A = arith.constant 0 : i32
      %get3A_82 = arith.index_cast %get3A : i32 to index
      %get3A_83 = arith.constant 0 : index
      %get3A_84 = tpu.vector_load %arg10[%get3A_82, %get3A_83] {strides = array<i32>} : memref<128x64xf32, #tpu.memory_space<vmem>>, vector<1x16xf32>,
      %get3A_85 = vector.shape_cast %get3A_84 : vector<1x16xf32> to vector<16xf32>
      %get3A_86 = arith.constant 0 : i32
      %get3A_87 = arith.index_cast %get3A_86 : i32 to index
      %get3A_88 = arith.constant 16 : index
      %get3A_89 = tpu.vector_load %arg10[%get3A_87, %get3A_88] {strides = array<i32>} : memref<128x64xf32, #tpu.memory_space<vmem>>, vector<1x16xf32>,
      %get3A_90 = vector.shape_cast %get3A_89 : vector<1x16xf32> to vector<16xf32>
      %get3A_91 = arith.constant 0 : i32
      %get3A_92 = arith.index_cast %get3A_91 : i32 to index
      %get3A_93 = arith.constant 32 : index
      %get3A_94 = tpu.vector_load %arg10[%get3A_92, %get3A_93] {strides = array<i32>} : memref<128x64xf32, #tpu.memory_space<vmem>>, vector<1x16xf32>,
      %get3A_95 = vector.shape_cast %get3A_94 : vector<1x16xf32> to vector<16xf32>
      %get3A_96 = arith.constant 0 : i32
      %get3A_97 = arith.index_cast %get3A_96 : i32 to index
      %get3A_98 = arith.constant 48 : index
      %get3A_99 = tpu.vector_load %arg10[%get3A_97, %get3A_98] {strides = array<i32>} : memref<128x64xf32, #tpu.memory_space<vmem>>, vector<1x16xf32>,
      %get3A_100 = vector.shape_cast %get3A_99 : vector<1x16xf32> to vector<16xf32>
      %get3A_101 = arith.constant 0 : i32
      %get3A_102 = arith.index_cast %get3A_101 : i32 to index
      %get3A_103 = arith.constant 0 : index
      %get3A_104 = tpu.vector_load %arg14[%get3A_102, %get3A_103] {strides = array<i32>} : memref<128x64xf32, #tpu.memory_space<vmem>>, vector<1x16xf32>,
      %get3A_105 = vector.shape_cast %get3A_104 : vector<1x16xf32> to vector<16xf32>
      %get3A_106 = arith.constant 0 : i32
      %get3A_107 = arith.index_cast %get3A_106 : i32 to index
      %get3A_108 = arith.constant 16 : index
      %get3A_109 = tpu.vector_load %arg14[%get3A_107, %get3A_108] {strides = array<i32>} : memref<128x64xf32, #tpu.memory_space<vmem>>, vector<1x16xf32>,
      %get3A_110 = vector.shape_cast %get3A_109 : vector<1x16xf32> to vector<16xf32>
      %get3A_111 = arith.constant 0 : i32
      %get3A_112 = arith.index_cast %get3A_111 : i32 to index
      %get3A_113 = arith.constant 32 : index
      %get3A_114 = tpu.vector_load %arg14[%get3A_112, %get3A_113] {strides = array<i32>} : memref<128x64xf32, #tpu.memory_space<vmem>>, vector<1x16xf32>,
      %get3A_115 = vector.shape_cast %get3A_114 : vector<1x16xf32> to vector<16xf32>
      %get3A_116 = arith.constant 0 : i32
      %get3A_117 = arith.index_cast %get3A_116 : i32 to index
      %get3A_118 = arith.constant 48 : index
      %get3A_119 = tpu.vector_load %arg14[%get3A_117, %get3A_118] {strides = array<i32>} : memref<128x64xf32, #tpu.memory_space<vmem>>, vector<1x16xf32>,
      %get3A_120 = vector.shape_cast %get3A_119 : vector<1x16xf32> to vector<16xf32>
      %scan3A_121 = arith.constant 0 : i32
      %scan3A_122 = arith.constant 127 : i32
      %scan3A_123 = arith.addi %scan3A_121, %scan3A_122 : i32
      %scan3A_124 = arith.constant 1 : i32
      %scan3A_125:12 = scf.for %scan3A_387 = %scan3A_121 to %scan3A_123 step %scan3A_124 iter_args(%scan3A_388 = %scan3A_54, %scan3A_389 = %scan3A_55, %scan3A_390 = %scan3A_56, %scan3A_391 = %scan3A_57, %scan3A_392 = %get3A_85, %scan3A_393 = %get3A_90, %scan3A_394 = %get3A_95, %scan3A_395 = %get3A_100, %scan3A_396 = %get3A_105, %scan3A_397 = %get3A_110, %scan3A_398 = %get3A_115, %scan3A_399 = %get3A_120) -> (vector<16xf32>, vector<16xf32>, vector<16xf32>, vector<16xf32>, vector<16xf32>, vector<16xf32>, vector<16xf32>, vector<16xf32>, vector<16xf32>, vector<16xf32>, vector<16xf32>, vector<16xf32>)  : i32 {
        %add3A_400 = arith.constant 1 : i32
        %add3A_401 = arith.addi %scan3A_387, %add3A_400 : i32
        %get3A_402 = arith.index_cast %add3A_401 : i32 to index
        %get3A_403 = arith.constant 0 : index
        %get3A_404 = tpu.vector_load %arg10[%get3A_402, %get3A_403] {strides = array<i32>} : memref<128x64xf32, #tpu.memory_space<vmem>>, vector<1x16xf32>,
        %get3A_405 = vector.shape_cast %get3A_404 : vector<1x16xf32> to vector<16xf32>
        %get3A_406 = arith.index_cast %add3A_401 : i32 to index
        %get3A_407 = arith.constant 16 : index
        %get3A_408 = tpu.vector_load %arg10[%get3A_406, %get3A_407] {strides = array<i32>} : memref<128x64xf32, #tpu.memory_space<vmem>>, vector<1x16xf32>,
        %get3A_409 = vector.shape_cast %get3A_408 : vector<1x16xf32> to vector<16xf32>
        %get3A_410 = arith.index_cast %add3A_401 : i32 to index
        %get3A_411 = arith.constant 32 : index
        %get3A_412 = tpu.vector_load %arg10[%get3A_410, %get3A_411] {strides = array<i32>} : memref<128x64xf32, #tpu.memory_space<vmem>>, vector<1x16xf32>,
        %get3A_413 = vector.shape_cast %get3A_412 : vector<1x16xf32> to vector<16xf32>
        %get3A_414 = arith.index_cast %add3A_401 : i32 to index
        %get3A_415 = arith.constant 48 : index
        %get3A_416 = tpu.vector_load %arg10[%get3A_414, %get3A_415] {strides = array<i32>} : memref<128x64xf32, #tpu.memory_space<vmem>>, vector<1x16xf32>,
        %get3A_417 = vector.shape_cast %get3A_416 : vector<1x16xf32> to vector<16xf32>
        %get3A_418 = arith.index_cast %add3A_401 : i32 to index
        %get3A_419 = arith.constant 0 : index
        %get3A_420 = tpu.vector_load %arg14[%get3A_418, %get3A_419] {strides = array<i32>} : memref<128x64xf32, #tpu.memory_space<vmem>>, vector<1x16xf32>,
        %get3A_421 = vector.shape_cast %get3A_420 : vector<1x16xf32> to vector<16xf32>
        %get3A_422 = arith.index_cast %add3A_401 : i32 to index
        %get3A_423 = arith.constant 16 : index
        %get3A_424 = tpu.vector_load %arg14[%get3A_422, %get3A_423] {strides = array<i32>} : memref<128x64xf32, #tpu.memory_space<vmem>>, vector<1x16xf32>,
        %get3A_425 = vector.shape_cast %get3A_424 : vector<1x16xf32> to vector<16xf32>
        %get3A_426 = arith.index_cast %add3A_401 : i32 to index
        %get3A_427 = arith.constant 32 : index
        %get3A_428 = tpu.vector_load %arg14[%get3A_426, %get3A_427] {strides = array<i32>} : memref<128x64xf32, #tpu.memory_space<vmem>>, vector<1x16xf32>,
        %get3A_429 = vector.shape_cast %get3A_428 : vector<1x16xf32> to vector<16xf32>
        %get3A_430 = arith.index_cast %add3A_401 : i32 to index
        %get3A_431 = arith.constant 48 : index
        %get3A_432 = tpu.vector_load %arg14[%get3A_430, %get3A_431] {strides = array<i32>} : memref<128x64xf32, #tpu.memory_space<vmem>>, vector<1x16xf32>,
        %get3A_433 = vector.shape_cast %get3A_432 : vector<1x16xf32> to vector<16xf32>
        %sub3A_434 = arith.subf %scan3A_392, %scan3A_396 : vector<16xf32>
        %sub3A_435 = arith.subf %scan3A_393, %scan3A_397 : vector<16xf32>
        %sub3A_436 = arith.subf %scan3A_394, %scan3A_398 : vector<16xf32>
        %sub3A_437 = arith.subf %scan3A_395, %scan3A_399 : vector<16xf32>
        %mul3A_438 = arith.mulf %sub3A_434, %sub3A_434 : vector<16xf32>
        %add3A_439 = arith.addf %scan3A_388, %mul3A_438 : vector<16xf32>
        %mul3A_440 = arith.mulf %sub3A_435, %sub3A_435 : vector<16xf32>
        %add3A_441 = arith.addf %scan3A_389, %mul3A_440 : vector<16xf32>
        %mul3A_442 = arith.mulf %sub3A_436, %sub3A_436 : vector<16xf32>
        %add3A_443 = arith.addf %scan3A_390, %mul3A_442 : vector<16xf32>
        %mul3A_444 = arith.mulf %sub3A_437, %sub3A_437 : vector<16xf32>
        %add3A_445 = arith.addf %scan3A_391, %mul3A_444 : vector<16xf32>
        scf.yield %add3A_439, %add3A_441, %add3A_443, %add3A_445, %get3A_405, %get3A_409, %get3A_413, %get3A_417, %get3A_421, %get3A_425, %get3A_429, %get3A_433 : vector<16xf32>, vector<16xf32>, vector<16xf32>, vector<16xf32>, vector<16xf32>, vector<16xf32>, vector<16xf32>, vector<16xf32>, vector<16xf32>, vector<16xf32>, vector<16xf32>, vector<16xf32>
      }
      %scan3A_126 = arith.constant 127 : i32
      %sub3A = arith.subf %scan3A_125#4, %scan3A_125#8 : vector<16xf32>
      %sub3A_127 = arith.subf %scan3A_125#5, %scan3A_125#9 : vector<16xf32>
      %sub3A_128 = arith.subf %scan3A_125#6, %scan3A_125#10 : vector<16xf32>
      %sub3A_129 = arith.subf %scan3A_125#7, %scan3A_125#11 : vector<16xf32>
      %mul3A_130 = arith.mulf %sub3A, %sub3A : vector<16xf32>
      %add3A_131 = arith.addf %scan3A_125#0, %mul3A_130 : vector<16xf32>
      %mul3A_132 = arith.mulf %sub3A_127, %sub3A_127 : vector<16xf32>
      %add3A_133 = arith.addf %scan3A_125#1, %mul3A_132 : vector<16xf32>
      %mul3A_134 = arith.mulf %sub3A_128, %sub3A_128 : vector<16xf32>
      %add3A_135 = arith.addf %scan3A_125#2, %mul3A_134 : vector<16xf32>
      %mul3A_136 = arith.mulf %sub3A_129, %sub3A_129 : vector<16xf32>
      %add3A_137 = arith.addf %scan3A_125#3, %mul3A_136 : vector<16xf32>
      %mul3A_138 = arith.constant 4 : i32
      %mul3A_139 = arith.muli %scan3A_53, %mul3A_138 : i32
      %add3A_140 = arith.constant 1 : i32
      %add3A_141 = arith.addi %mul3A_139, %add3A_140 : i32
      %dma_wait3A_142 = arith.constant 0 : i32
      %dma_wait3A_143 = arith.constant 0 : i32
      %dma_wait3A_144 = tpu.memref_slice %arg31[%dma_wait3A_142, %dma_wait3A_143] : memref<85x64xf32, #tpu.memory_space<vmem_shared>> -> memref<85x64xf32, #tpu.memory_space<vmem_shared>>
      tpu.wait_indirect_dma semaphore(%arg24 : memref<!tpu.dma_semaphore, #tpu.memory_space<semaphore_mem>>) src(%dma_wait3A_144 : memref<85x64xf32, #tpu.memory_space<vmem_shared>>) dst(%arg15 : memref<128x64xf32, #tpu.memory_space<vmem>>)
      %dma_wait3A_145 = arith.constant 0 : i32
      %dma_wait3A_146 = tpu.memref_slice %arg3[%mul3A_2, %dma_wait3A_145] : memref<262144x64xf32, #tpu.memory_space<hbm>> -> memref<128x64xf32, #tpu.memory_space<hbm>>
      %dma_wait3A_147 = arith.constant 0 : i32
      %dma_wait3A_148 = tpu.memref_slice %arg3[%mul3A_2, %dma_wait3A_147] : memref<262144x64xf32, #tpu.memory_space<hbm>> -> memref<128x64xf32, #tpu.memory_space<hbm>>
      tpu.wait_dma2 semaphore(%arg28 : memref<!tpu.dma_semaphore, #tpu.memory_space<semaphore_mem>>) src(%dma_wait3A_148 : memref<128x64xf32, #tpu.memory_space<hbm>>) dst(%arg11 : memref<128x64xf32, #tpu.memory_space<vmem>>)
      %add3A_149 = arith.constant 2 : i32
      %add3A_150 = arith.addi %add3A_141, %add3A_149 : i32
      %lt3A_151 = arith.constant 64 : i32
      %lt3A_152 = arith.cmpi slt, %add3A_150, %lt3A_151 : i32
      %convert_element_type3A_153 = arith.extui %lt3A_152 : i1 to i32
      %cond3A_154 = arith.constant 0 : i32
      %cond3A_155 = arith.cmpi ne, %convert_element_type3A_153, %cond3A_154 : i32
      scf.if %cond3A_155 {
        %dma_wait3A_387 = tpu.memref_slice %arg2[%mul3A_2] : memref<262144xi32, #tpu.memory_space<hbm>> -> memref<128xi32, #tpu.memory_space<hbm>>
        %dma_wait3A_388 = tpu.memref_slice %arg2[%mul3A_2] : memref<262144xi32, #tpu.memory_space<hbm>> -> memref<128xi32, #tpu.memory_space<hbm>>
        tpu.wait_dma2 semaphore(%arg22 : memref<!tpu.dma_semaphore, #tpu.memory_space<semaphore_mem>>) src(%dma_wait3A_388 : memref<128xi32, #tpu.memory_space<hbm>>) dst(%arg9 : memref<128xi32, #tpu.memory_space<vmem>>)
        %add3A_389 = arith.constant 2 : i32
        %add3A_390 = arith.addi %add3A_141, %add3A_389 : i32
        %dma_start3A_391 = arith.constant 0 : i32
        %dma_start3A_392 = arith.constant 0 : i32
        %dma_start3A_393 = tpu.memref_slice %arg31[%dma_start3A_391, %dma_start3A_392] : memref<85x64xf32, #tpu.memory_space<vmem_shared>> -> memref<85x64xf32, #tpu.memory_space<vmem_shared>>
        tpu.enqueue_indirect_dma source(%dma_start3A_393 : memref<85x64xf32, #tpu.memory_space<vmem_shared>>) target(%arg17 : memref<128x64xf32, #tpu.memory_space<vmem>>) offsets(%arg9 : memref<128xi32, #tpu.memory_space<vmem>>) semaphore(%arg26 : memref<!tpu.dma_semaphore, #tpu.memory_space<semaphore_mem>>)
        %add3A_394 = arith.constant 2 : i32
        %add3A_395 = arith.addi %add3A_141, %add3A_394 : i32
        %mul3A_396 = arith.constant 128 : i32
        %mul3A_397 = arith.muli %add3A_395, %mul3A_396 : i32
        %add3A_398 = arith.addi %mul3A_2, %mul3A_397 : i32
        %dma_start3A_399 = arith.constant 0 : i32
        %dma_start3A_400 = tpu.memref_slice %arg3[%add3A_398, %dma_start3A_399] : memref<262144x64xf32, #tpu.memory_space<hbm>> -> memref<128x64xf32, #tpu.memory_space<hbm>>
        %dma_start3A_401 = arith.constant 0 : i32
        %dma_start3A_402 = tpu.memref_slice %arg3[%add3A_398, %dma_start3A_401] : memref<262144x64xf32, #tpu.memory_space<hbm>> -> memref<128x64xf32, #tpu.memory_space<hbm>>
        tpu.enqueue_dma source(%dma_start3A_402 : memref<128x64xf32, #tpu.memory_space<hbm>>) target(%arg13 : memref<128x64xf32, #tpu.memory_space<vmem>>) target_semaphore(%arg30 : memref<!tpu.dma_semaphore, #tpu.memory_space<semaphore_mem>>)
      } else {
      }
      %add3A_156 = arith.constant 4 : i32
      %add3A_157 = arith.addi %add3A_141, %add3A_156 : i32
      %lt3A_158 = arith.constant 64 : i32
      %lt3A_159 = arith.cmpi slt, %add3A_157, %lt3A_158 : i32
      %convert_element_type3A_160 = arith.extui %lt3A_159 : i1 to i32
      %cond3A_161 = arith.constant 0 : i32
      %cond3A_162 = arith.cmpi ne, %convert_element_type3A_160, %cond3A_161 : i32
      scf.if %cond3A_162 {
        %add3A_387 = arith.constant 4 : i32
        %add3A_388 = arith.addi %add3A_141, %add3A_387 : i32
        %mul3A_389 = arith.constant 128 : i32
        %mul3A_390 = arith.muli %add3A_388, %mul3A_389 : i32
        %add3A_391 = arith.addi %mul3A_2, %mul3A_390 : i32
        %dma_start3A_392 = tpu.memref_slice %arg2[%add3A_391] : memref<262144xi32, #tpu.memory_space<hbm>> -> memref<128xi32, #tpu.memory_space<hbm>>
        %dma_start3A_393 = tpu.memref_slice %arg2[%add3A_391] : memref<262144xi32, #tpu.memory_space<hbm>> -> memref<128xi32, #tpu.memory_space<hbm>>
        tpu.enqueue_dma source(%dma_start3A_393 : memref<128xi32, #tpu.memory_space<hbm>>) target(%arg7 : memref<128xi32, #tpu.memory_space<vmem>>) target_semaphore(%arg20 : memref<!tpu.dma_semaphore, #tpu.memory_space<semaphore_mem>>)
      } else {
      }
      %get3A_163 = arith.constant 0 : i32
      %get3A_164 = arith.index_cast %get3A_163 : i32 to index
      %get3A_165 = arith.constant 0 : index
      %get3A_166 = tpu.vector_load %arg11[%get3A_164, %get3A_165] {strides = array<i32>} : memref<128x64xf32, #tpu.memory_space<vmem>>, vector<1x16xf32>,
      %get3A_167 = vector.shape_cast %get3A_166 : vector<1x16xf32> to vector<16xf32>
      %get3A_168 = arith.constant 0 : i32
      %get3A_169 = arith.index_cast %get3A_168 : i32 to index
      %get3A_170 = arith.constant 16 : index
      %get3A_171 = tpu.vector_load %arg11[%get3A_169, %get3A_170] {strides = array<i32>} : memref<128x64xf32, #tpu.memory_space<vmem>>, vector<1x16xf32>,
      %get3A_172 = vector.shape_cast %get3A_171 : vector<1x16xf32> to vector<16xf32>
      %get3A_173 = arith.constant 0 : i32
      %get3A_174 = arith.index_cast %get3A_173 : i32 to index
      %get3A_175 = arith.constant 32 : index
      %get3A_176 = tpu.vector_load %arg11[%get3A_174, %get3A_175] {strides = array<i32>} : memref<128x64xf32, #tpu.memory_space<vmem>>, vector<1x16xf32>,
      %get3A_177 = vector.shape_cast %get3A_176 : vector<1x16xf32> to vector<16xf32>
      %get3A_178 = arith.constant 0 : i32
      %get3A_179 = arith.index_cast %get3A_178 : i32 to index
      %get3A_180 = arith.constant 48 : index
      %get3A_181 = tpu.vector_load %arg11[%get3A_179, %get3A_180] {strides = array<i32>} : memref<128x64xf32, #tpu.memory_space<vmem>>, vector<1x16xf32>,
      %get3A_182 = vector.shape_cast %get3A_181 : vector<1x16xf32> to vector<16xf32>
      %get3A_183 = arith.constant 0 : i32
      %get3A_184 = arith.index_cast %get3A_183 : i32 to index
      %get3A_185 = arith.constant 0 : index
      %get3A_186 = tpu.vector_load %arg15[%get3A_184, %get3A_185] {strides = array<i32>} : memref<128x64xf32, #tpu.memory_space<vmem>>, vector<1x16xf32>,
      %get3A_187 = vector.shape_cast %get3A_186 : vector<1x16xf32> to vector<16xf32>
      %get3A_188 = arith.constant 0 : i32
      %get3A_189 = arith.index_cast %get3A_188 : i32 to index
      %get3A_190 = arith.constant 16 : index
      %get3A_191 = tpu.vector_load %arg15[%get3A_189, %get3A_190] {strides = array<i32>} : memref<128x64xf32, #tpu.memory_space<vmem>>, vector<1x16xf32>,
      %get3A_192 = vector.shape_cast %get3A_191 : vector<1x16xf32> to vector<16xf32>
      %get3A_193 = arith.constant 0 : i32
      %get3A_194 = arith.index_cast %get3A_193 : i32 to index
      %get3A_195 = arith.constant 32 : index
      %get3A_196 = tpu.vector_load %arg15[%get3A_194, %get3A_195] {strides = array<i32>} : memref<128x64xf32, #tpu.memory_space<vmem>>, vector<1x16xf32>,
      %get3A_197 = vector.shape_cast %get3A_196 : vector<1x16xf32> to vector<16xf32>
      %get3A_198 = arith.constant 0 : i32
      %get3A_199 = arith.index_cast %get3A_198 : i32 to index
      %get3A_200 = arith.constant 48 : index
      %get3A_201 = tpu.vector_load %arg15[%get3A_199, %get3A_200] {strides = array<i32>} : memref<128x64xf32, #tpu.memory_space<vmem>>, vector<1x16xf32>,
      %get3A_202 = vector.shape_cast %get3A_201 : vector<1x16xf32> to vector<16xf32>
      %scan3A_203 = arith.constant 0 : i32
      %scan3A_204 = arith.constant 127 : i32
      %scan3A_205 = arith.addi %scan3A_203, %scan3A_204 : i32
      %scan3A_206 = arith.constant 1 : i32
      %scan3A_207:12 = scf.for %scan3A_387 = %scan3A_203 to %scan3A_205 step %scan3A_206 iter_args(%scan3A_388 = %add3A_131, %scan3A_389 = %add3A_133, %scan3A_390 = %add3A_135, %scan3A_391 = %add3A_137, %scan3A_392 = %get3A_167, %scan3A_393 = %get3A_172, %scan3A_394 = %get3A_177, %scan3A_395 = %get3A_182, %scan3A_396 = %get3A_187, %scan3A_397 = %get3A_192, %scan3A_398 = %get3A_197, %scan3A_399 = %get3A_202) -> (vector<16xf32>, vector<16xf32>, vector<16xf32>, vector<16xf32>, vector<16xf32>, vector<16xf32>, vector<16xf32>, vector<16xf32>, vector<16xf32>, vector<16xf32>, vector<16xf32>, vector<16xf32>)  : i32 {
        %add3A_400 = arith.constant 1 : i32
        %add3A_401 = arith.addi %scan3A_387, %add3A_400 : i32
        %get3A_402 = arith.index_cast %add3A_401 : i32 to index
        %get3A_403 = arith.constant 0 : index
        %get3A_404 = tpu.vector_load %arg11[%get3A_402, %get3A_403] {strides = array<i32>} : memref<128x64xf32, #tpu.memory_space<vmem>>, vector<1x16xf32>,
        %get3A_405 = vector.shape_cast %get3A_404 : vector<1x16xf32> to vector<16xf32>
        %get3A_406 = arith.index_cast %add3A_401 : i32 to index
        %get3A_407 = arith.constant 16 : index
        %get3A_408 = tpu.vector_load %arg11[%get3A_406, %get3A_407] {strides = array<i32>} : memref<128x64xf32, #tpu.memory_space<vmem>>, vector<1x16xf32>,
        %get3A_409 = vector.shape_cast %get3A_408 : vector<1x16xf32> to vector<16xf32>
        %get3A_410 = arith.index_cast %add3A_401 : i32 to index
        %get3A_411 = arith.constant 32 : index
        %get3A_412 = tpu.vector_load %arg11[%get3A_410, %get3A_411] {strides = array<i32>} : memref<128x64xf32, #tpu.memory_space<vmem>>, vector<1x16xf32>,
        %get3A_413 = vector.shape_cast %get3A_412 : vector<1x16xf32> to vector<16xf32>
        %get3A_414 = arith.index_cast %add3A_401 : i32 to index
        %get3A_415 = arith.constant 48 : index
        %get3A_416 = tpu.vector_load %arg11[%get3A_414, %get3A_415] {strides = array<i32>} : memref<128x64xf32, #tpu.memory_space<vmem>>, vector<1x16xf32>,
        %get3A_417 = vector.shape_cast %get3A_416 : vector<1x16xf32> to vector<16xf32>
        %get3A_418 = arith.index_cast %add3A_401 : i32 to index
        %get3A_419 = arith.constant 0 : index
        %get3A_420 = tpu.vector_load %arg15[%get3A_418, %get3A_419] {strides = array<i32>} : memref<128x64xf32, #tpu.memory_space<vmem>>, vector<1x16xf32>,
        %get3A_421 = vector.shape_cast %get3A_420 : vector<1x16xf32> to vector<16xf32>
        %get3A_422 = arith.index_cast %add3A_401 : i32 to index
        %get3A_423 = arith.constant 16 : index
        %get3A_424 = tpu.vector_load %arg15[%get3A_422, %get3A_423] {strides = array<i32>} : memref<128x64xf32, #tpu.memory_space<vmem>>, vector<1x16xf32>,
        %get3A_425 = vector.shape_cast %get3A_424 : vector<1x16xf32> to vector<16xf32>
        %get3A_426 = arith.index_cast %add3A_401 : i32 to index
        %get3A_427 = arith.constant 32 : index
        %get3A_428 = tpu.vector_load %arg15[%get3A_426, %get3A_427] {strides = array<i32>} : memref<128x64xf32, #tpu.memory_space<vmem>>, vector<1x16xf32>,
        %get3A_429 = vector.shape_cast %get3A_428 : vector<1x16xf32> to vector<16xf32>
        %get3A_430 = arith.index_cast %add3A_401 : i32 to index
        %get3A_431 = arith.constant 48 : index
        %get3A_432 = tpu.vector_load %arg15[%get3A_430, %get3A_431] {strides = array<i32>} : memref<128x64xf32, #tpu.memory_space<vmem>>, vector<1x16xf32>,
        %get3A_433 = vector.shape_cast %get3A_432 : vector<1x16xf32> to vector<16xf32>
        %sub3A_434 = arith.subf %scan3A_392, %scan3A_396 : vector<16xf32>
        %sub3A_435 = arith.subf %scan3A_393, %scan3A_397 : vector<16xf32>
        %sub3A_436 = arith.subf %scan3A_394, %scan3A_398 : vector<16xf32>
        %sub3A_437 = arith.subf %scan3A_395, %scan3A_399 : vector<16xf32>
        %mul3A_438 = arith.mulf %sub3A_434, %sub3A_434 : vector<16xf32>
        %add3A_439 = arith.addf %scan3A_388, %mul3A_438 : vector<16xf32>
        %mul3A_440 = arith.mulf %sub3A_435, %sub3A_435 : vector<16xf32>
        %add3A_441 = arith.addf %scan3A_389, %mul3A_440 : vector<16xf32>
        %mul3A_442 = arith.mulf %sub3A_436, %sub3A_436 : vector<16xf32>
        %add3A_443 = arith.addf %scan3A_390, %mul3A_442 : vector<16xf32>
        %mul3A_444 = arith.mulf %sub3A_437, %sub3A_437 : vector<16xf32>
        %add3A_445 = arith.addf %scan3A_391, %mul3A_444 : vector<16xf32>
        scf.yield %add3A_439, %add3A_441, %add3A_443, %add3A_445, %get3A_405, %get3A_409, %get3A_413, %get3A_417, %get3A_421, %get3A_425, %get3A_429, %get3A_433 : vector<16xf32>, vector<16xf32>, vector<16xf32>, vector<16xf32>, vector<16xf32>, vector<16xf32>, vector<16xf32>, vector<16xf32>, vector<16xf32>, vector<16xf32>, vector<16xf32>, vector<16xf32>
      }
      %scan3A_208 = arith.constant 127 : i32
      %sub3A_209 = arith.subf %scan3A_207#4, %scan3A_207#8 : vector<16xf32>
      %sub3A_210 = arith.subf %scan3A_207#5, %scan3A_207#9 : vector<16xf32>
      %sub3A_211 = arith.subf %scan3A_207#6, %scan3A_207#10 : vector<16xf32>
      %sub3A_212 = arith.subf %scan3A_207#7, %scan3A_207#11 : vector<16xf32>
      %mul3A_213 = arith.mulf %sub3A_209, %sub3A_209 : vector<16xf32>
      %add3A_214 = arith.addf %scan3A_207#0, %mul3A_213 : vector<16xf32>
      %mul3A_215 = arith.mulf %sub3A_210, %sub3A_210 : vector<16xf32>
      %add3A_216 = arith.addf %scan3A_207#1, %mul3A_215 : vector<16xf32>
      %mul3A_217 = arith.mulf %sub3A_211, %sub3A_211 : vector<16xf32>
      %add3A_218 = arith.addf %scan3A_207#2, %mul3A_217 : vector<16xf32>
      %mul3A_219 = arith.mulf %sub3A_212, %sub3A_212 : vector<16xf32>
      %add3A_220 = arith.addf %scan3A_207#3, %mul3A_219 : vector<16xf32>
      %mul3A_221 = arith.constant 4 : i32
      %mul3A_222 = arith.muli %scan3A_53, %mul3A_221 : i32
      %add3A_223 = arith.constant 2 : i32
      %add3A_224 = arith.addi %mul3A_222, %add3A_223 : i32
      %dma_wait3A_225 = arith.constant 0 : i32
      %dma_wait3A_226 = arith.constant 0 : i32
      %dma_wait3A_227 = tpu.memref_slice %arg31[%dma_wait3A_225, %dma_wait3A_226] : memref<85x64xf32, #tpu.memory_space<vmem_shared>> -> memref<85x64xf32, #tpu.memory_space<vmem_shared>>
      tpu.wait_indirect_dma semaphore(%arg25 : memref<!tpu.dma_semaphore, #tpu.memory_space<semaphore_mem>>) src(%dma_wait3A_227 : memref<85x64xf32, #tpu.memory_space<vmem_shared>>) dst(%arg16 : memref<128x64xf32, #tpu.memory_space<vmem>>)
      %dma_wait3A_228 = arith.constant 0 : i32
      %dma_wait3A_229 = tpu.memref_slice %arg3[%mul3A_2, %dma_wait3A_228] : memref<262144x64xf32, #tpu.memory_space<hbm>> -> memref<128x64xf32, #tpu.memory_space<hbm>>
      %dma_wait3A_230 = arith.constant 0 : i32
      %dma_wait3A_231 = tpu.memref_slice %arg3[%mul3A_2, %dma_wait3A_230] : memref<262144x64xf32, #tpu.memory_space<hbm>> -> memref<128x64xf32, #tpu.memory_space<hbm>>
      tpu.wait_dma2 semaphore(%arg29 : memref<!tpu.dma_semaphore, #tpu.memory_space<semaphore_mem>>) src(%dma_wait3A_231 : memref<128x64xf32, #tpu.memory_space<hbm>>) dst(%arg12 : memref<128x64xf32, #tpu.memory_space<vmem>>)
      %add3A_232 = arith.constant 2 : i32
      %add3A_233 = arith.addi %add3A_224, %add3A_232 : i32
      %lt3A_234 = arith.constant 64 : i32
      %lt3A_235 = arith.cmpi slt, %add3A_233, %lt3A_234 : i32
      %convert_element_type3A_236 = arith.extui %lt3A_235 : i1 to i32
      %cond3A_237 = arith.constant 0 : i32
      %cond3A_238 = arith.cmpi ne, %convert_element_type3A_236, %cond3A_237 : i32
      scf.if %cond3A_238 {
        %dma_wait3A_387 = tpu.memref_slice %arg2[%mul3A_2] : memref<262144xi32, #tpu.memory_space<hbm>> -> memref<128xi32, #tpu.memory_space<hbm>>
        %dma_wait3A_388 = tpu.memref_slice %arg2[%mul3A_2] : memref<262144xi32, #tpu.memory_space<hbm>> -> memref<128xi32, #tpu.memory_space<hbm>>
        tpu.wait_dma2 semaphore(%arg19 : memref<!tpu.dma_semaphore, #tpu.memory_space<semaphore_mem>>) src(%dma_wait3A_388 : memref<128xi32, #tpu.memory_space<hbm>>) dst(%arg6 : memref<128xi32, #tpu.memory_space<vmem>>)
        %add3A_389 = arith.constant 2 : i32
        %add3A_390 = arith.addi %add3A_224, %add3A_389 : i32
        %dma_start3A_391 = arith.constant 0 : i32
        %dma_start3A_392 = arith.constant 0 : i32
        %dma_start3A_393 = tpu.memref_slice %arg31[%dma_start3A_391, %dma_start3A_392] : memref<85x64xf32, #tpu.memory_space<vmem_shared>> -> memref<85x64xf32, #tpu.memory_space<vmem_shared>>
        tpu.enqueue_indirect_dma source(%dma_start3A_393 : memref<85x64xf32, #tpu.memory_space<vmem_shared>>) target(%arg14 : memref<128x64xf32, #tpu.memory_space<vmem>>) offsets(%arg6 : memref<128xi32, #tpu.memory_space<vmem>>) semaphore(%arg23 : memref<!tpu.dma_semaphore, #tpu.memory_space<semaphore_mem>>)
        %add3A_394 = arith.constant 2 : i32
        %add3A_395 = arith.addi %add3A_224, %add3A_394 : i32
        %mul3A_396 = arith.constant 128 : i32
        %mul3A_397 = arith.muli %add3A_395, %mul3A_396 : i32
        %add3A_398 = arith.addi %mul3A_2, %mul3A_397 : i32
        %dma_start3A_399 = arith.constant 0 : i32
        %dma_start3A_400 = tpu.memref_slice %arg3[%add3A_398, %dma_start3A_399] : memref<262144x64xf32, #tpu.memory_space<hbm>> -> memref<128x64xf32, #tpu.memory_space<hbm>>
        %dma_start3A_401 = arith.constant 0 : i32
        %dma_start3A_402 = tpu.memref_slice %arg3[%add3A_398, %dma_start3A_401] : memref<262144x64xf32, #tpu.memory_space<hbm>> -> memref<128x64xf32, #tpu.memory_space<hbm>>
        tpu.enqueue_dma source(%dma_start3A_402 : memref<128x64xf32, #tpu.memory_space<hbm>>) target(%arg10 : memref<128x64xf32, #tpu.memory_space<vmem>>) target_semaphore(%arg27 : memref<!tpu.dma_semaphore, #tpu.memory_space<semaphore_mem>>)
      } else {
      }
      %add3A_239 = arith.constant 4 : i32
      %add3A_240 = arith.addi %add3A_224, %add3A_239 : i32
      %lt3A_241 = arith.constant 64 : i32
      %lt3A_242 = arith.cmpi slt, %add3A_240, %lt3A_241 : i32
      %convert_element_type3A_243 = arith.extui %lt3A_242 : i1 to i32
      %cond3A_244 = arith.constant 0 : i32
      %cond3A_245 = arith.cmpi ne, %convert_element_type3A_243, %cond3A_244 : i32
      scf.if %cond3A_245 {
        %add3A_387 = arith.constant 4 : i32
        %add3A_388 = arith.addi %add3A_224, %add3A_387 : i32
        %mul3A_389 = arith.constant 128 : i32
        %mul3A_390 = arith.muli %add3A_388, %mul3A_389 : i32
        %add3A_391 = arith.addi %mul3A_2, %mul3A_390 : i32
        %dma_start3A_392 = tpu.memref_slice %arg2[%add3A_391] : memref<262144xi32, #tpu.memory_space<hbm>> -> memref<128xi32, #tpu.memory_space<hbm>>
        %dma_start3A_393 = tpu.memref_slice %arg2[%add3A_391] : memref<262144xi32, #tpu.memory_space<hbm>> -> memref<128xi32, #tpu.memory_space<hbm>>
        tpu.enqueue_dma source(%dma_start3A_393 : memref<128xi32, #tpu.memory_space<hbm>>) target(%arg8 : memref<128xi32, #tpu.memory_space<vmem>>) target_semaphore(%arg21 : memref<!tpu.dma_semaphore, #tpu.memory_space<semaphore_mem>>)
      } else {
      }
      %get3A_246 = arith.constant 0 : i32
      %get3A_247 = arith.index_cast %get3A_246 : i32 to index
      %get3A_248 = arith.constant 0 : index
      %get3A_249 = tpu.vector_load %arg12[%get3A_247, %get3A_248] {strides = array<i32>} : memref<128x64xf32, #tpu.memory_space<vmem>>, vector<1x16xf32>,
      %get3A_250 = vector.shape_cast %get3A_249 : vector<1x16xf32> to vector<16xf32>
      %get3A_251 = arith.constant 0 : i32
      %get3A_252 = arith.index_cast %get3A_251 : i32 to index
      %get3A_253 = arith.constant 16 : index
      %get3A_254 = tpu.vector_load %arg12[%get3A_252, %get3A_253] {strides = array<i32>} : memref<128x64xf32, #tpu.memory_space<vmem>>, vector<1x16xf32>,
      %get3A_255 = vector.shape_cast %get3A_254 : vector<1x16xf32> to vector<16xf32>
      %get3A_256 = arith.constant 0 : i32
      %get3A_257 = arith.index_cast %get3A_256 : i32 to index
      %get3A_258 = arith.constant 32 : index
      %get3A_259 = tpu.vector_load %arg12[%get3A_257, %get3A_258] {strides = array<i32>} : memref<128x64xf32, #tpu.memory_space<vmem>>, vector<1x16xf32>,
      %get3A_260 = vector.shape_cast %get3A_259 : vector<1x16xf32> to vector<16xf32>
      %get3A_261 = arith.constant 0 : i32
      %get3A_262 = arith.index_cast %get3A_261 : i32 to index
      %get3A_263 = arith.constant 48 : index
      %get3A_264 = tpu.vector_load %arg12[%get3A_262, %get3A_263] {strides = array<i32>} : memref<128x64xf32, #tpu.memory_space<vmem>>, vector<1x16xf32>,
      %get3A_265 = vector.shape_cast %get3A_264 : vector<1x16xf32> to vector<16xf32>
      %get3A_266 = arith.constant 0 : i32
      %get3A_267 = arith.index_cast %get3A_266 : i32 to index
      %get3A_268 = arith.constant 0 : index
      %get3A_269 = tpu.vector_load %arg16[%get3A_267, %get3A_268] {strides = array<i32>} : memref<128x64xf32, #tpu.memory_space<vmem>>, vector<1x16xf32>,
      %get3A_270 = vector.shape_cast %get3A_269 : vector<1x16xf32> to vector<16xf32>
      %get3A_271 = arith.constant 0 : i32
      %get3A_272 = arith.index_cast %get3A_271 : i32 to index
      %get3A_273 = arith.constant 16 : index
      %get3A_274 = tpu.vector_load %arg16[%get3A_272, %get3A_273] {strides = array<i32>} : memref<128x64xf32, #tpu.memory_space<vmem>>, vector<1x16xf32>,
      %get3A_275 = vector.shape_cast %get3A_274 : vector<1x16xf32> to vector<16xf32>
      %get3A_276 = arith.constant 0 : i32
      %get3A_277 = arith.index_cast %get3A_276 : i32 to index
      %get3A_278 = arith.constant 32 : index
      %get3A_279 = tpu.vector_load %arg16[%get3A_277, %get3A_278] {strides = array<i32>} : memref<128x64xf32, #tpu.memory_space<vmem>>, vector<1x16xf32>,
      %get3A_280 = vector.shape_cast %get3A_279 : vector<1x16xf32> to vector<16xf32>
      %get3A_281 = arith.constant 0 : i32
      %get3A_282 = arith.index_cast %get3A_281 : i32 to index
      %get3A_283 = arith.constant 48 : index
      %get3A_284 = tpu.vector_load %arg16[%get3A_282, %get3A_283] {strides = array<i32>} : memref<128x64xf32, #tpu.memory_space<vmem>>, vector<1x16xf32>,
      %get3A_285 = vector.shape_cast %get3A_284 : vector<1x16xf32> to vector<16xf32>
      %scan3A_286 = arith.constant 0 : i32
      %scan3A_287 = arith.constant 127 : i32
      %scan3A_288 = arith.addi %scan3A_286, %scan3A_287 : i32
      %scan3A_289 = arith.constant 1 : i32
      %scan3A_290:12 = scf.for %scan3A_387 = %scan3A_286 to %scan3A_288 step %scan3A_289 iter_args(%scan3A_388 = %add3A_214, %scan3A_389 = %add3A_216, %scan3A_390 = %add3A_218, %scan3A_391 = %add3A_220, %scan3A_392 = %get3A_250, %scan3A_393 = %get3A_255, %scan3A_394 = %get3A_260, %scan3A_395 = %get3A_265, %scan3A_396 = %get3A_270, %scan3A_397 = %get3A_275, %scan3A_398 = %get3A_280, %scan3A_399 = %get3A_285) -> (vector<16xf32>, vector<16xf32>, vector<16xf32>, vector<16xf32>, vector<16xf32>, vector<16xf32>, vector<16xf32>, vector<16xf32>, vector<16xf32>, vector<16xf32>, vector<16xf32>, vector<16xf32>)  : i32 {
        %add3A_400 = arith.constant 1 : i32
        %add3A_401 = arith.addi %scan3A_387, %add3A_400 : i32
        %get3A_402 = arith.index_cast %add3A_401 : i32 to index
        %get3A_403 = arith.constant 0 : index
        %get3A_404 = tpu.vector_load %arg12[%get3A_402, %get3A_403] {strides = array<i32>} : memref<128x64xf32, #tpu.memory_space<vmem>>, vector<1x16xf32>,
        %get3A_405 = vector.shape_cast %get3A_404 : vector<1x16xf32> to vector<16xf32>
        %get3A_406 = arith.index_cast %add3A_401 : i32 to index
        %get3A_407 = arith.constant 16 : index
        %get3A_408 = tpu.vector_load %arg12[%get3A_406, %get3A_407] {strides = array<i32>} : memref<128x64xf32, #tpu.memory_space<vmem>>, vector<1x16xf32>,
        %get3A_409 = vector.shape_cast %get3A_408 : vector<1x16xf32> to vector<16xf32>
        %get3A_410 = arith.index_cast %add3A_401 : i32 to index
        %get3A_411 = arith.constant 32 : index
        %get3A_412 = tpu.vector_load %arg12[%get3A_410, %get3A_411] {strides = array<i32>} : memref<128x64xf32, #tpu.memory_space<vmem>>, vector<1x16xf32>,
        %get3A_413 = vector.shape_cast %get3A_412 : vector<1x16xf32> to vector<16xf32>
        %get3A_414 = arith.index_cast %add3A_401 : i32 to index
        %get3A_415 = arith.constant 48 : index
        %get3A_416 = tpu.vector_load %arg12[%get3A_414, %get3A_415] {strides = array<i32>} : memref<128x64xf32, #tpu.memory_space<vmem>>, vector<1x16xf32>,
        %get3A_417 = vector.shape_cast %get3A_416 : vector<1x16xf32> to vector<16xf32>
        %get3A_418 = arith.index_cast %add3A_401 : i32 to index
        %get3A_419 = arith.constant 0 : index
        %get3A_420 = tpu.vector_load %arg16[%get3A_418, %get3A_419] {strides = array<i32>} : memref<128x64xf32, #tpu.memory_space<vmem>>, vector<1x16xf32>,
        %get3A_421 = vector.shape_cast %get3A_420 : vector<1x16xf32> to vector<16xf32>
        %get3A_422 = arith.index_cast %add3A_401 : i32 to index
        %get3A_423 = arith.constant 16 : index
        %get3A_424 = tpu.vector_load %arg16[%get3A_422, %get3A_423] {strides = array<i32>} : memref<128x64xf32, #tpu.memory_space<vmem>>, vector<1x16xf32>,
        %get3A_425 = vector.shape_cast %get3A_424 : vector<1x16xf32> to vector<16xf32>
        %get3A_426 = arith.index_cast %add3A_401 : i32 to index
        %get3A_427 = arith.constant 32 : index
        %get3A_428 = tpu.vector_load %arg16[%get3A_426, %get3A_427] {strides = array<i32>} : memref<128x64xf32, #tpu.memory_space<vmem>>, vector<1x16xf32>,
        %get3A_429 = vector.shape_cast %get3A_428 : vector<1x16xf32> to vector<16xf32>
        %get3A_430 = arith.index_cast %add3A_401 : i32 to index
        %get3A_431 = arith.constant 48 : index
        %get3A_432 = tpu.vector_load %arg16[%get3A_430, %get3A_431] {strides = array<i32>} : memref<128x64xf32, #tpu.memory_space<vmem>>, vector<1x16xf32>,
        %get3A_433 = vector.shape_cast %get3A_432 : vector<1x16xf32> to vector<16xf32>
        %sub3A_434 = arith.subf %scan3A_392, %scan3A_396 : vector<16xf32>
        %sub3A_435 = arith.subf %scan3A_393, %scan3A_397 : vector<16xf32>
        %sub3A_436 = arith.subf %scan3A_394, %scan3A_398 : vector<16xf32>
        %sub3A_437 = arith.subf %scan3A_395, %scan3A_399 : vector<16xf32>
        %mul3A_438 = arith.mulf %sub3A_434, %sub3A_434 : vector<16xf32>
        %add3A_439 = arith.addf %scan3A_388, %mul3A_438 : vector<16xf32>
        %mul3A_440 = arith.mulf %sub3A_435, %sub3A_435 : vector<16xf32>
        %add3A_441 = arith.addf %scan3A_389, %mul3A_440 : vector<16xf32>
        %mul3A_442 = arith.mulf %sub3A_436, %sub3A_436 : vector<16xf32>
        %add3A_443 = arith.addf %scan3A_390, %mul3A_442 : vector<16xf32>
        %mul3A_444 = arith.mulf %sub3A_437, %sub3A_437 : vector<16xf32>
        %add3A_445 = arith.addf %scan3A_391, %mul3A_444 : vector<16xf32>
        scf.yield %add3A_439, %add3A_441, %add3A_443, %add3A_445, %get3A_405, %get3A_409, %get3A_413, %get3A_417, %get3A_421, %get3A_425, %get3A_429, %get3A_433 : vector<16xf32>, vector<16xf32>, vector<16xf32>, vector<16xf32>, vector<16xf32>, vector<16xf32>, vector<16xf32>, vector<16xf32>, vector<16xf32>, vector<16xf32>, vector<16xf32>, vector<16xf32>
      }
      %scan3A_291 = arith.constant 127 : i32
      %sub3A_292 = arith.subf %scan3A_290#4, %scan3A_290#8 : vector<16xf32>
      %sub3A_293 = arith.subf %scan3A_290#5, %scan3A_290#9 : vector<16xf32>
      %sub3A_294 = arith.subf %scan3A_290#6, %scan3A_290#10 : vector<16xf32>
      %sub3A_295 = arith.subf %scan3A_290#7, %scan3A_290#11 : vector<16xf32>
      %mul3A_296 = arith.mulf %sub3A_292, %sub3A_292 : vector<16xf32>
      %add3A_297 = arith.addf %scan3A_290#0, %mul3A_296 : vector<16xf32>
      %mul3A_298 = arith.mulf %sub3A_293, %sub3A_293 : vector<16xf32>
      %add3A_299 = arith.addf %scan3A_290#1, %mul3A_298 : vector<16xf32>
      %mul3A_300 = arith.mulf %sub3A_294, %sub3A_294 : vector<16xf32>
      %add3A_301 = arith.addf %scan3A_290#2, %mul3A_300 : vector<16xf32>
      %mul3A_302 = arith.mulf %sub3A_295, %sub3A_295 : vector<16xf32>
      %add3A_303 = arith.addf %scan3A_290#3, %mul3A_302 : vector<16xf32>
      %mul3A_304 = arith.constant 4 : i32
      %mul3A_305 = arith.muli %scan3A_53, %mul3A_304 : i32
      %add3A_306 = arith.constant 3 : i32
      %add3A_307 = arith.addi %mul3A_305, %add3A_306 : i32
      %dma_wait3A_308 = arith.constant 0 : i32
      %dma_wait3A_309 = arith.constant 0 : i32
      %dma_wait3A_310 = tpu.memref_slice %arg31[%dma_wait3A_308, %dma_wait3A_309] : memref<85x64xf32, #tpu.memory_space<vmem_shared>> -> memref<85x64xf32, #tpu.memory_space<vmem_shared>>
      tpu.wait_indirect_dma semaphore(%arg26 : memref<!tpu.dma_semaphore, #tpu.memory_space<semaphore_mem>>) src(%dma_wait3A_310 : memref<85x64xf32, #tpu.memory_space<vmem_shared>>) dst(%arg17 : memref<128x64xf32, #tpu.memory_space<vmem>>)
      %dma_wait3A_311 = arith.constant 0 : i32
      %dma_wait3A_312 = tpu.memref_slice %arg3[%mul3A_2, %dma_wait3A_311] : memref<262144x64xf32, #tpu.memory_space<hbm>> -> memref<128x64xf32, #tpu.memory_space<hbm>>
      %dma_wait3A_313 = arith.constant 0 : i32
      %dma_wait3A_314 = tpu.memref_slice %arg3[%mul3A_2, %dma_wait3A_313] : memref<262144x64xf32, #tpu.memory_space<hbm>> -> memref<128x64xf32, #tpu.memory_space<hbm>>
      tpu.wait_dma2 semaphore(%arg30 : memref<!tpu.dma_semaphore, #tpu.memory_space<semaphore_mem>>) src(%dma_wait3A_314 : memref<128x64xf32, #tpu.memory_space<hbm>>) dst(%arg13 : memref<128x64xf32, #tpu.memory_space<vmem>>)
      %add3A_315 = arith.constant 2 : i32
      %add3A_316 = arith.addi %add3A_307, %add3A_315 : i32
      %lt3A_317 = arith.constant 64 : i32
      %lt3A_318 = arith.cmpi slt, %add3A_316, %lt3A_317 : i32
      %convert_element_type3A_319 = arith.extui %lt3A_318 : i1 to i32
      %cond3A_320 = arith.constant 0 : i32
      %cond3A_321 = arith.cmpi ne, %convert_element_type3A_319, %cond3A_320 : i32
      scf.if %cond3A_321 {
        %dma_wait3A_387 = tpu.memref_slice %arg2[%mul3A_2] : memref<262144xi32, #tpu.memory_space<hbm>> -> memref<128xi32, #tpu.memory_space<hbm>>
        %dma_wait3A_388 = tpu.memref_slice %arg2[%mul3A_2] : memref<262144xi32, #tpu.memory_space<hbm>> -> memref<128xi32, #tpu.memory_space<hbm>>
        tpu.wait_dma2 semaphore(%arg20 : memref<!tpu.dma_semaphore, #tpu.memory_space<semaphore_mem>>) src(%dma_wait3A_388 : memref<128xi32, #tpu.memory_space<hbm>>) dst(%arg7 : memref<128xi32, #tpu.memory_space<vmem>>)
        %add3A_389 = arith.constant 2 : i32
        %add3A_390 = arith.addi %add3A_307, %add3A_389 : i32
        %dma_start3A_391 = arith.constant 0 : i32
        %dma_start3A_392 = arith.constant 0 : i32
        %dma_start3A_393 = tpu.memref_slice %arg31[%dma_start3A_391, %dma_start3A_392] : memref<85x64xf32, #tpu.memory_space<vmem_shared>> -> memref<85x64xf32, #tpu.memory_space<vmem_shared>>
        tpu.enqueue_indirect_dma source(%dma_start3A_393 : memref<85x64xf32, #tpu.memory_space<vmem_shared>>) target(%arg15 : memref<128x64xf32, #tpu.memory_space<vmem>>) offsets(%arg7 : memref<128xi32, #tpu.memory_space<vmem>>) semaphore(%arg24 : memref<!tpu.dma_semaphore, #tpu.memory_space<semaphore_mem>>)
        %add3A_394 = arith.constant 2 : i32
        %add3A_395 = arith.addi %add3A_307, %add3A_394 : i32
        %mul3A_396 = arith.constant 128 : i32
        %mul3A_397 = arith.muli %add3A_395, %mul3A_396 : i32
        %add3A_398 = arith.addi %mul3A_2, %mul3A_397 : i32
        %dma_start3A_399 = arith.constant 0 : i32
        %dma_start3A_400 = tpu.memref_slice %arg3[%add3A_398, %dma_start3A_399] : memref<262144x64xf32, #tpu.memory_space<hbm>> -> memref<128x64xf32, #tpu.memory_space<hbm>>
        %dma_start3A_401 = arith.constant 0 : i32
        %dma_start3A_402 = tpu.memref_slice %arg3[%add3A_398, %dma_start3A_401] : memref<262144x64xf32, #tpu.memory_space<hbm>> -> memref<128x64xf32, #tpu.memory_space<hbm>>
        tpu.enqueue_dma source(%dma_start3A_402 : memref<128x64xf32, #tpu.memory_space<hbm>>) target(%arg11 : memref<128x64xf32, #tpu.memory_space<vmem>>) target_semaphore(%arg28 : memref<!tpu.dma_semaphore, #tpu.memory_space<semaphore_mem>>)
      } else {
      }
      %add3A_322 = arith.constant 4 : i32
      %add3A_323 = arith.addi %add3A_307, %add3A_322 : i32
      %lt3A_324 = arith.constant 64 : i32
      %lt3A_325 = arith.cmpi slt, %add3A_323, %lt3A_324 : i32
      %convert_element_type3A_326 = arith.extui %lt3A_325 : i1 to i32
      %cond3A_327 = arith.constant 0 : i32
      %cond3A_328 = arith.cmpi ne, %convert_element_type3A_326, %cond3A_327 : i32
      scf.if %cond3A_328 {
        %add3A_387 = arith.constant 4 : i32
        %add3A_388 = arith.addi %add3A_307, %add3A_387 : i32
        %mul3A_389 = arith.constant 128 : i32
        %mul3A_390 = arith.muli %add3A_388, %mul3A_389 : i32
        %add3A_391 = arith.addi %mul3A_2, %mul3A_390 : i32
        %dma_start3A_392 = tpu.memref_slice %arg2[%add3A_391] : memref<262144xi32, #tpu.memory_space<hbm>> -> memref<128xi32, #tpu.memory_space<hbm>>
        %dma_start3A_393 = tpu.memref_slice %arg2[%add3A_391] : memref<262144xi32, #tpu.memory_space<hbm>> -> memref<128xi32, #tpu.memory_space<hbm>>
        tpu.enqueue_dma source(%dma_start3A_393 : memref<128xi32, #tpu.memory_space<hbm>>) target(%arg9 : memref<128xi32, #tpu.memory_space<vmem>>) target_semaphore(%arg22 : memref<!tpu.dma_semaphore, #tpu.memory_space<semaphore_mem>>)
      } else {
      }
      %get3A_329 = arith.constant 0 : i32
      %get3A_330 = arith.index_cast %get3A_329 : i32 to index
      %get3A_331 = arith.constant 0 : index
      %get3A_332 = tpu.vector_load %arg13[%get3A_330, %get3A_331] {strides = array<i32>} : memref<128x64xf32, #tpu.memory_space<vmem>>, vector<1x16xf32>,
      %get3A_333 = vector.shape_cast %get3A_332 : vector<1x16xf32> to vector<16xf32>
      %get3A_334 = arith.constant 0 : i32
      %get3A_335 = arith.index_cast %get3A_334 : i32 to index
      %get3A_336 = arith.constant 16 : index
      %get3A_337 = tpu.vector_load %arg13[%get3A_335, %get3A_336] {strides = array<i32>} : memref<128x64xf32, #tpu.memory_space<vmem>>, vector<1x16xf32>,
      %get3A_338 = vector.shape_cast %get3A_337 : vector<1x16xf32> to vector<16xf32>
      %get3A_339 = arith.constant 0 : i32
      %get3A_340 = arith.index_cast %get3A_339 : i32 to index
      %get3A_341 = arith.constant 32 : index
      %get3A_342 = tpu.vector_load %arg13[%get3A_340, %get3A_341] {strides = array<i32>} : memref<128x64xf32, #tpu.memory_space<vmem>>, vector<1x16xf32>,
      %get3A_343 = vector.shape_cast %get3A_342 : vector<1x16xf32> to vector<16xf32>
      %get3A_344 = arith.constant 0 : i32
      %get3A_345 = arith.index_cast %get3A_344 : i32 to index
      %get3A_346 = arith.constant 48 : index
      %get3A_347 = tpu.vector_load %arg13[%get3A_345, %get3A_346] {strides = array<i32>} : memref<128x64xf32, #tpu.memory_space<vmem>>, vector<1x16xf32>,
      %get3A_348 = vector.shape_cast %get3A_347 : vector<1x16xf32> to vector<16xf32>
      %get3A_349 = arith.constant 0 : i32
      %get3A_350 = arith.index_cast %get3A_349 : i32 to index
      %get3A_351 = arith.constant 0 : index
      %get3A_352 = tpu.vector_load %arg17[%get3A_350, %get3A_351] {strides = array<i32>} : memref<128x64xf32, #tpu.memory_space<vmem>>, vector<1x16xf32>,
      %get3A_353 = vector.shape_cast %get3A_352 : vector<1x16xf32> to vector<16xf32>
      %get3A_354 = arith.constant 0 : i32
      %get3A_355 = arith.index_cast %get3A_354 : i32 to index
      %get3A_356 = arith.constant 16 : index
      %get3A_357 = tpu.vector_load %arg17[%get3A_355, %get3A_356] {strides = array<i32>} : memref<128x64xf32, #tpu.memory_space<vmem>>, vector<1x16xf32>,
      %get3A_358 = vector.shape_cast %get3A_357 : vector<1x16xf32> to vector<16xf32>
      %get3A_359 = arith.constant 0 : i32
      %get3A_360 = arith.index_cast %get3A_359 : i32 to index
      %get3A_361 = arith.constant 32 : index
      %get3A_362 = tpu.vector_load %arg17[%get3A_360, %get3A_361] {strides = array<i32>} : memref<128x64xf32, #tpu.memory_space<vmem>>, vector<1x16xf32>,
      %get3A_363 = vector.shape_cast %get3A_362 : vector<1x16xf32> to vector<16xf32>
      %get3A_364 = arith.constant 0 : i32
      %get3A_365 = arith.index_cast %get3A_364 : i32 to index
      %get3A_366 = arith.constant 48 : index
      %get3A_367 = tpu.vector_load %arg17[%get3A_365, %get3A_366] {strides = array<i32>} : memref<128x64xf32, #tpu.memory_space<vmem>>, vector<1x16xf32>,
      %get3A_368 = vector.shape_cast %get3A_367 : vector<1x16xf32> to vector<16xf32>
      %scan3A_369 = arith.constant 0 : i32
      %scan3A_370 = arith.constant 127 : i32
      %scan3A_371 = arith.addi %scan3A_369, %scan3A_370 : i32
      %scan3A_372 = arith.constant 1 : i32
      %scan3A_373:12 = scf.for %scan3A_387 = %scan3A_369 to %scan3A_371 step %scan3A_372 iter_args(%scan3A_388 = %add3A_297, %scan3A_389 = %add3A_299, %scan3A_390 = %add3A_301, %scan3A_391 = %add3A_303, %scan3A_392 = %get3A_333, %scan3A_393 = %get3A_338, %scan3A_394 = %get3A_343, %scan3A_395 = %get3A_348, %scan3A_396 = %get3A_353, %scan3A_397 = %get3A_358, %scan3A_398 = %get3A_363, %scan3A_399 = %get3A_368) -> (vector<16xf32>, vector<16xf32>, vector<16xf32>, vector<16xf32>, vector<16xf32>, vector<16xf32>, vector<16xf32>, vector<16xf32>, vector<16xf32>, vector<16xf32>, vector<16xf32>, vector<16xf32>)  : i32 {
        %add3A_400 = arith.constant 1 : i32
        %add3A_401 = arith.addi %scan3A_387, %add3A_400 : i32
        %get3A_402 = arith.index_cast %add3A_401 : i32 to index
        %get3A_403 = arith.constant 0 : index
        %get3A_404 = tpu.vector_load %arg13[%get3A_402, %get3A_403] {strides = array<i32>} : memref<128x64xf32, #tpu.memory_space<vmem>>, vector<1x16xf32>,
        %get3A_405 = vector.shape_cast %get3A_404 : vector<1x16xf32> to vector<16xf32>
        %get3A_406 = arith.index_cast %add3A_401 : i32 to index
        %get3A_407 = arith.constant 16 : index
        %get3A_408 = tpu.vector_load %arg13[%get3A_406, %get3A_407] {strides = array<i32>} : memref<128x64xf32, #tpu.memory_space<vmem>>, vector<1x16xf32>,
        %get3A_409 = vector.shape_cast %get3A_408 : vector<1x16xf32> to vector<16xf32>
        %get3A_410 = arith.index_cast %add3A_401 : i32 to index
        %get3A_411 = arith.constant 32 : index
        %get3A_412 = tpu.vector_load %arg13[%get3A_410, %get3A_411] {strides = array<i32>} : memref<128x64xf32, #tpu.memory_space<vmem>>, vector<1x16xf32>,
        %get3A_413 = vector.shape_cast %get3A_412 : vector<1x16xf32> to vector<16xf32>
        %get3A_414 = arith.index_cast %add3A_401 : i32 to index
        %get3A_415 = arith.constant 48 : index
        %get3A_416 = tpu.vector_load %arg13[%get3A_414, %get3A_415] {strides = array<i32>} : memref<128x64xf32, #tpu.memory_space<vmem>>, vector<1x16xf32>,
        %get3A_417 = vector.shape_cast %get3A_416 : vector<1x16xf32> to vector<16xf32>
        %get3A_418 = arith.index_cast %add3A_401 : i32 to index
        %get3A_419 = arith.constant 0 : index
        %get3A_420 = tpu.vector_load %arg17[%get3A_418, %get3A_419] {strides = array<i32>} : memref<128x64xf32, #tpu.memory_space<vmem>>, vector<1x16xf32>,
        %get3A_421 = vector.shape_cast %get3A_420 : vector<1x16xf32> to vector<16xf32>
        %get3A_422 = arith.index_cast %add3A_401 : i32 to index
        %get3A_423 = arith.constant 16 : index
        %get3A_424 = tpu.vector_load %arg17[%get3A_422, %get3A_423] {strides = array<i32>} : memref<128x64xf32, #tpu.memory_space<vmem>>, vector<1x16xf32>,
        %get3A_425 = vector.shape_cast %get3A_424 : vector<1x16xf32> to vector<16xf32>
        %get3A_426 = arith.index_cast %add3A_401 : i32 to index
        %get3A_427 = arith.constant 32 : index
        %get3A_428 = tpu.vector_load %arg17[%get3A_426, %get3A_427] {strides = array<i32>} : memref<128x64xf32, #tpu.memory_space<vmem>>, vector<1x16xf32>,
        %get3A_429 = vector.shape_cast %get3A_428 : vector<1x16xf32> to vector<16xf32>
        %get3A_430 = arith.index_cast %add3A_401 : i32 to index
        %get3A_431 = arith.constant 48 : index
        %get3A_432 = tpu.vector_load %arg17[%get3A_430, %get3A_431] {strides = array<i32>} : memref<128x64xf32, #tpu.memory_space<vmem>>, vector<1x16xf32>,
        %get3A_433 = vector.shape_cast %get3A_432 : vector<1x16xf32> to vector<16xf32>
        %sub3A_434 = arith.subf %scan3A_392, %scan3A_396 : vector<16xf32>
        %sub3A_435 = arith.subf %scan3A_393, %scan3A_397 : vector<16xf32>
        %sub3A_436 = arith.subf %scan3A_394, %scan3A_398 : vector<16xf32>
        %sub3A_437 = arith.subf %scan3A_395, %scan3A_399 : vector<16xf32>
        %mul3A_438 = arith.mulf %sub3A_434, %sub3A_434 : vector<16xf32>
        %add3A_439 = arith.addf %scan3A_388, %mul3A_438 : vector<16xf32>
        %mul3A_440 = arith.mulf %sub3A_435, %sub3A_435 : vector<16xf32>
        %add3A_441 = arith.addf %scan3A_389, %mul3A_440 : vector<16xf32>
        %mul3A_442 = arith.mulf %sub3A_436, %sub3A_436 : vector<16xf32>
        %add3A_443 = arith.addf %scan3A_390, %mul3A_442 : vector<16xf32>
        %mul3A_444 = arith.mulf %sub3A_437, %sub3A_437 : vector<16xf32>
        %add3A_445 = arith.addf %scan3A_391, %mul3A_444 : vector<16xf32>
        scf.yield %add3A_439, %add3A_441, %add3A_443, %add3A_445, %get3A_405, %get3A_409, %get3A_413, %get3A_417, %get3A_421, %get3A_425, %get3A_429, %get3A_433 : vector<16xf32>, vector<16xf32>, vector<16xf32>, vector<16xf32>, vector<16xf32>, vector<16xf32>, vector<16xf32>, vector<16xf32>, vector<16xf32>, vector<16xf32>, vector<16xf32>, vector<16xf32>
      }
      %scan3A_374 = arith.constant 127 : i32
      %sub3A_375 = arith.subf %scan3A_373#4, %scan3A_373#8 : vector<16xf32>
      %sub3A_376 = arith.subf %scan3A_373#5, %scan3A_373#9 : vector<16xf32>
      %sub3A_377 = arith.subf %scan3A_373#6, %scan3A_373#10 : vector<16xf32>
      %sub3A_378 = arith.subf %scan3A_373#7, %scan3A_373#11 : vector<16xf32>
      %mul3A_379 = arith.mulf %sub3A_375, %sub3A_375 : vector<16xf32>
      %add3A_380 = arith.addf %scan3A_373#0, %mul3A_379 : vector<16xf32>
      %mul3A_381 = arith.mulf %sub3A_376, %sub3A_376 : vector<16xf32>
      %add3A_382 = arith.addf %scan3A_373#1, %mul3A_381 : vector<16xf32>
      %mul3A_383 = arith.mulf %sub3A_377, %sub3A_377 : vector<16xf32>
      %add3A_384 = arith.addf %scan3A_373#2, %mul3A_383 : vector<16xf32>
      %mul3A_385 = arith.mulf %sub3A_378, %sub3A_378 : vector<16xf32>
      %add3A_386 = arith.addf %scan3A_373#3, %mul3A_385 : vector<16xf32>
      scf.yield %add3A_380, %add3A_382, %add3A_384, %add3A_386 : vector<16xf32>, vector<16xf32>, vector<16xf32>, vector<16xf32>
    }
    %scan3A_46 = arith.constant 16 : i32
    %add3A_47 = arith.addf %scan3A_45#0, %scan3A_45#1 : vector<16xf32>
    %add3A_48 = arith.addf %scan3A_45#2, %scan3A_45#3 : vector<16xf32>
    %add3A_49 = arith.addf %add3A_47, %add3A_48 : vector<16xf32>
    %swap3A = arith.constant 0 : index
    %swap3A_50 = tpu.vector_load %arg18[%swap3A] {strides = array<i32>} : memref<16xf32, #tpu.memory_space<vmem>>, vector<16xf32>,
    %swap3A_51 = vector.shape_cast %swap3A_50 : vector<16xf32> to vector<16xf32>
    %swap3A_52 = vector.shape_cast %add3A_49 : vector<16xf32> to vector<16xf32>
    tpu.vector_store %arg18[%swap3A], %swap3A_52 {strides = array<i32>} : memref<16xf32, #tpu.memory_space<vmem>>, vector<16xf32>,
    "tpu.region"() ({
      %run_scoped3A = tpu.sem_alloc : memref<!tpu.dma_semaphore, #tpu.memory_space<semaphore_mem>>
      %dma_start3A_53 = arith.constant 0 : i32
      %dma_start3A_54 = tpu.memref_slice %arg5[%add3A, %dma_start3A_53] : memref<32x16xf32, #tpu.memory_space<hbm>> -> memref<1x16xf32, #tpu.memory_space<hbm>>
      %dma_start3A_55 = tpu.memref_squeeze %dma_start3A_54 : memref<1x16xf32, #tpu.memory_space<hbm>> -> memref<16xf32, #tpu.memory_space<hbm>>
      %dma_start3A_56 = arith.constant 0 : i32
      %dma_start3A_57 = tpu.memref_slice %arg5[%add3A, %dma_start3A_56] : memref<32x16xf32, #tpu.memory_space<hbm>> -> memref<1x16xf32, #tpu.memory_space<hbm>>
      %dma_start3A_58 = tpu.memref_squeeze %dma_start3A_57 : memref<1x16xf32, #tpu.memory_space<hbm>> -> memref<16xf32, #tpu.memory_space<hbm>>
      tpu.enqueue_dma source(%arg18 : memref<16xf32, #tpu.memory_space<vmem>>) target(%dma_start3A_58 : memref<16xf32, #tpu.memory_space<hbm>>) target_semaphore(%run_scoped3A : memref<!tpu.dma_semaphore, #tpu.memory_space<semaphore_mem>>)
      %dma_wait3A_59 = arith.constant 0 : i32
      %dma_wait3A_60 = tpu.memref_slice %arg5[%add3A, %dma_wait3A_59] : memref<32x16xf32, #tpu.memory_space<hbm>> -> memref<1x16xf32, #tpu.memory_space<hbm>>
      %dma_wait3A_61 = tpu.memref_squeeze %dma_wait3A_60 : memref<1x16xf32, #tpu.memory_space<hbm>> -> memref<16xf32, #tpu.memory_space<hbm>>
      %dma_wait3A_62 = arith.constant 0 : i32
      %dma_wait3A_63 = tpu.memref_slice %arg5[%add3A, %dma_wait3A_62] : memref<32x16xf32, #tpu.memory_space<hbm>> -> memref<1x16xf32, #tpu.memory_space<hbm>>
      %dma_wait3A_64 = tpu.memref_squeeze %dma_wait3A_63 : memref<1x16xf32, #tpu.memory_space<hbm>> -> memref<16xf32, #tpu.memory_space<hbm>>
      tpu.wait_dma2 semaphore(%run_scoped3A : memref<!tpu.dma_semaphore, #tpu.memory_space<semaphore_mem>>) src(%arg18 : memref<16xf32, #tpu.memory_space<vmem>>) dst(%dma_wait3A_64 : memref<16xf32, #tpu.memory_space<hbm>>)
      tpu.yield
    }) : () -> ()
    return
  }
}

</mosaic_0001>

<sc_bundles>
// kernel: _center_loss.3.cloned.1.call-start
scs
__scs_entry_jumppad:
0x0: {  	(pc) =	sbr.rel $0x88, $3  }
0x1: {  	(tag) =	ssettag $0x0;
	lr =	simm.s32 $0x1  }
0x2: {  	[smem:$0x3F9E] =	sst lr;
	_ =	strace $0xD0000000  }
0x3: {  	_ = 	snop  }
0x4: {  	_ = 	snop  }
0x5: {  	_ = 	snop  }
0x6: {  	_ = 	snop  }
0x7: {  	_ = 	snop  }
__scs_overlays_trampoline_lowered:
0x8: {  	[smem:$0x3FAD] =	sst s0  }
0x9: {  	[smem:$0x3FAE] =	sst s1  }
0xa: {  	[smem:$0x3FAF] =	sst s2  }
0xb: {  	[smem:$0x3FB0] =	sst s3  }
0xc: {  	[smem:$0x3FB1] =	sst s4  }
0xd: {  	[smem:$0x3FB2] =	sst s5  }
0xe: {  	[smem:$0x3FB3] =	sst s6  }
0xf: {  	[smem:$0x3FB4] =	sst s7  }
0x10: {  	[smem:$0x3FB5] =	sst s8  }
0x11: {  	[smem:$0x3FB6] =	sst s9;
	s0 =	simm.s32 @!p0 $0x0  }
0x12: {  	s1 =	sld [smem:$0x3F9C];
	s0 =	simm.s32 @p0 $0x1  }
0x13: {  	[smem:$0x3FB7] =	sst s0;
	s0 =	simm.s32 @!p1 $0x0  }
0x14: {  	s2 =	sld [smem:$0x3F9B];
	s0 =	simm.s32 @p1 $0x1  }
0x15: {  	[smem:$0x3FB8] =	sst s0;
	s0 =	simm.s32 @!p2 $0x0  }
0x16: {  	s3 =	sld [smem:$0x3FDB];
	s0 =	simm.s32 @p2 $0x1  }
0x17: {  	s4 =	simm.s32 $0x1BF5;
	[smem:$0x3FBA] =	sst s0  }
0x18: {  	s0 =	sld [smem:$0x3F9D];
	_ =	swait.ge [sflag:s4], $0x0  }
0x19: {  	s7 =	sld [smem:$0x3F9E]  }
0x1a: {  	s8 =	sadd.s32 $0xFFFFE003, lr  }
0x1b: {  	s9 =	sadd.s32 $0xFFFFFEF7, lr;
	s5 =	simm.s32 $0xFFFFFFFF;
	p2 =	slt.u32 s8, $0xFFFFF086  }
0x1c: {  	p1 =	slt.u32 s9, $0xF7A;
	s5 =	simm.s32 @!p2 $0x0  }
0x1d: {  	s5 =	simm.s32 @p1 $0x1;
	p0 =	seq.s32 s7, s2  }
0x1e: {  	s7 =	smul.u32 @!p0 $0xF7A, s2;
	p2 =	seq.s32 @!p0 s5, $0x0  }
0x1f: {  	s9 =	smul.u32 $0xF7A, s1;
	s8 =	simm.s32 @!p0 $0x1BF5;
	p2 =	por !p2, p0  }
0x20: {  	[sflag:s8] =	ssyncset.s32 @!p0 $0xFFFFF086;
	s6 =	sadd.s32 @!p0 s3, s7;
	s7 =	simm.s32 @!p0 $0x108  }
0x21: {  	s3 =	sadd.s32 s3, s9;
	s6 =	sadd.s32 @!p0 $0x88, s6;
	s7 =	simm.s32 @p2 $0x1082  }
0x22: {  	[simem:s7], [sflag:s8] =	dma.local @!p0 [hbm:s6], $0xF7A  }
0x23: {  	s9 =	sor.u32 $0xD0000000, s2;
	s6 =	simm.s32 $0x108;
	_ =	swait.ge @!p0 [sflag:s8], $0x0  }
0x24: {  	s3 =	sadd.s32 $0x88, s3;
	s6 =	simm.s32 @!p1 $0x1082;
	[sflag:s4] =	ssyncset.s32 $0xFFFFF086  }
0x25: {  	[simem:s6], [sflag:s4] =	dma.local [hbm:s3], $0xF7A  }
0x26: {  	[smem:$0x3F9E] =	sst s1;
	(tag) =	ssettag s2;
	_ =	strace s9  }
0x27: {  	s1 =	sld [smem:$0x3FAE]  }
0x28: {  	s2 =	sld [smem:$0x3FAF]  }
0x29: {  	s4 =	sld [smem:$0x3FB1]  }
0x2a: {  	p0 =	seq.s32 s5, $0x0;
	s5 =	sld [smem:$0x3FB2]  }
0x2b: {  	s6 =	sld [smem:$0x3FB3]  }
0x2c: {  	s7 =	sld [smem:$0x3FB4]  }
0x2d: {  	s3 =	simm.s32 $0x108;
	s8 =	sld [smem:$0x3FB5]  }
0x2e: {  	s3 =	simm.s32 @!p0 $0x1082;
	s9 =	sld [smem:$0x3FB6]  }
0x2f: {  	lr =	sadd.s32 s0, s3;
	s0 =	sld [smem:$0x3FAD]  }
0x30: {  	s3 =	sld [smem:$0x3FB0]  }
0x31: {  	[smem:$0x3FB9] =	sst s10  }
0x32: {  	s10 =	sld [smem:$0x3FB7];
	_ =	sdelay $0x3  }
0x33: {  	p0 =	seq.s32 s10, $0x1;
	s10 =	sld [smem:$0x3FB9];
	_ =	sdelay $0x3  }
0x34: {  	[smem:$0x3FB9] =	sst s10  }
0x35: {  	s10 =	sld [smem:$0x3FB8];
	_ =	sdelay $0x3  }
0x36: {  	p1 =	seq.s32 s10, $0x1;
	s10 =	sld [smem:$0x3FB9];
	_ =	sdelay $0x3  }
0x37: {  	[smem:$0x3FB9] =	sst s10  }
0x38: {  	s10 =	sld [smem:$0x3FBA]  }
0x39: {  	_ = 	snop;
	(pc) =	sbr.ind lr, $3  }
0x3a: {  	_ = 	snop  }
0x3b: {  	_ = 	snop  }
0x3c: {  	p2 =	seq.s32 s10, $0x1;
	s10 =	sld [smem:$0x3FB9]  }
0x3d: {  	_ =	shalt  }
0x3e: {  	_ =	shalt  }
0x3f: {  	_ =	shalt  }
0x40: {  	_ =	shalt  }
0x41: {  	_ =	shalt  }
0x42: {  	_ =	shalt  }
0x43: {  	_ =	shalt  }
0x44: {  	_ =	shalt  }
0x45: {  	_ =	shalt  }
0x46: {  	_ =	shalt  }
0x47: {  	_ =	shalt  }
0x48: {  	_ =	shalt  }
0x49: {  	_ =	shalt  }
0x4a: {  	_ =	shalt  }
0x4b: {  	_ =	shalt  }
0x4c: {  	_ =	shalt  }
0x4d: {  	_ =	shalt  }
0x4e: {  	_ =	shalt  }
0x4f: {  	_ =	shalt  }
0x50: {  	_ =	shalt  }
0x51: {  	_ =	shalt  }
0x52: {  	_ =	shalt  }
0x53: {  	_ =	shalt  }
0x54: {  	_ =	shalt  }
0x55: {  	_ =	shalt  }
0x56: {  	_ =	shalt  }
0x57: {  	_ =	shalt  }
0x58: {  	_ =	shalt  }
0x59: {  	_ =	shalt  }
0x5a: {  	_ =	shalt  }
0x5b: {  	_ =	shalt  }
0x5c: {  	_ =	shalt  }
0x5d: {  	_ =	shalt  }
0x5e: {  	_ =	shalt  }
0x5f: {  	_ =	shalt  }
0x60: {  	_ =	shalt  }
0x61: {  	_ =	shalt  }
0x62: {  	_ =	shalt  }
0x63: {  	_ =	shalt  }
0x64: {  	_ =	shalt  }
0x65: {  	_ =	shalt  }
0x66: {  	_ =	shalt  }
0x67: {  	_ =	shalt  }
0x68: {  	_ =	shalt  }
0x69: {  	_ =	shalt  }
0x6a: {  	_ =	shalt  }
0x6b: {  	_ =	shalt  }
0x6c: {  	_ =	shalt  }
0x6d: {  	_ =	shalt  }
0x6e: {  	_ =	shalt  }
0x6f: {  	_ =	shalt  }
0x70: {  	_ =	shalt  }
0x71: {  	_ =	shalt  }
0x72: {  	_ =	shalt  }
0x73: {  	_ =	shalt  }
0x74: {  	_ =	shalt  }
0x75: {  	_ =	shalt  }
0x76: {  	_ =	shalt  }
0x77: {  	_ =	shalt  }
0x78: {  	_ =	shalt  }
0x79: {  	_ =	shalt  }
0x7a: {  	_ =	shalt  }
0x7b: {  	_ =	shalt  }
0x7c: {  	_ =	shalt  }
0x7d: {  	_ =	shalt  }
0x7e: {  	_ =	shalt  }
0x7f: {  	_ =	shalt  }
0x80: {  	_ =	shalt  }
0x81: {  	_ =	shalt  }
0x82: {  	_ =	shalt  }
0x83: {  	_ =	shalt  }
0x84: {  	_ =	shalt  }
0x85: {  	_ =	shalt  }
0x86: {  	_ =	shalt  }
0x87: {  	_ =	shalt  }
.Lfunc_end0:
.L_simem_size_0:
called_computation_lowered:
.L_overlay_start_0:
0x88: {  	s2 =	sld [smem:$0x3FD9]  }
0x89: {  	s3 =	sld [smem:$0x3FFE];
	_ =	sdelay $0x1  }
0x8a: {  	s1 =	srdreg.scid  }
0x8b: {  	s0 =	sand.u32 $0x1, s1  }
0x8c: {  	s17 =	sshll.u32 s0, $0xA;
	s2 =	sadd.s32 s3, s2  }
0x8d: {  	s2 =	sadd.s32 s2, s17  }
0x8e: {  	[smem:$0x3FC5] =	sst s2  }
0x8f: {  	_ = 	snop  }
0x90: {  	s2 =	sld [smem:$0x3FC9];
	(tm) =	ssettm $0x1  }
0x91: {  	s18 =	sld [smem:$0x3FFB];
	_ =	sdelay $0x3  }
0x92: {  	_ =	strace s18  }
0x93: {  	s3 =	sld [smem:$0x3FFC];
	_ =	sdelay $0x3  }
0x94: {  	_ =	strace s3  }
0x95: {  	s3 =	sld [smem:$0x3FFD];
	_ =	sdelay $0x3  }
0x96: {  	_ =	strace s3  }
0x97: {  	_ =	strace $0x8FFFFFFF  }
0x98: {  	s19 =	sld [smem:$0x3FDB];
	_ =	sdelay $0x1  }
0x99: {  	s4 =	simm.s32 $_scs_section_size  }
0x9a: {  	s5 =	simm.s32 $_size__tile_overlayer_lowered;
	s6 =	simm.s32 $_tile_overlayer_lowered  }
0x9b: {  	s22 =	simm.s32 $0x1BFF;
	s21 =	sshll.u32 s6, $0x1;
	s3 =	sadd.s32 s4, s19  }
0x9c: {  	s7 =	simm.s32 $0x0;
	s20 =	sshll.u32 s5, $0x1;
	s5 =	sadd.s32 s21, s3  }
0x9d: {  	[timem:s7], [sflag:s22] =	dma.local [hbm:s5], s20  }
0x9e: {  	_ =	swait.ge [sflag:s22], s20  }
0x9f: {  	s4 =	ssub.s32 $0x0, s20;
	[sflag:s22] =	ssyncset.done $0x0  }
0xa0: {  	[sflag:s22] =	ssyncadd.s32 s4;
	_ =	sdelay $0x1  }
0xa1: {  	s23 =	simm.s32 $0x1B8B  }
0xa2: {  	_ =	swait.ge [sflag:s23], $0x1  }
0xa3: {  	[sflag:s23] =	ssyncset.done $0x0  }
0xa4: {  	s25 =	simm.s32 $0x1B8E;
	s24 =	sld [smem:$0x3FFE];
	[sflag:s23] =	ssyncadd.s32 $0xFFFFFFFF  }
0xa5: {  	s26 =	simm.s32 $execute0_lowered;
	[smem:$0x3FD2] =	sst s25  }
0xa6: {  	s5 =	sshll.u32 s26, $0x1;
	_ =	strace $0x80000046;
	[dreg:$0x1] =	wrdreg $0xFFFFFFFF  }
0xa7: {  	s28 =	simm.s32 $_size_execute0_lowered;
	s3 =	sadd.s32 s3, s5;
	[dreg:$0x0] =	wrdreg $0x0  }
0xa8: {  	s5 =	sshll.u32 s28, $0x1;
	[dreg:$0x2] =	wrdreg s3  }
0xa9: {  	[dreg:$0x3] =	wrdreg s5  }
0xaa: {  	[dreg:$0x4] =	wrdreg $0xC0  }
0xab: {  	_ =	task [dreg:s7], $0x5FFFF  }
0xac: {  	[dreg:$0x1] =	wrdreg $0xFFFFFFFF  }
0xad: {  	[dreg:$0x0] =	wrdreg $0x60  }
0xae: {  	[dreg:$0x2] =	wrdreg s2  }
0xaf: {  	[dreg:$0x3] =	wrdreg s24  }
0xb0: {  	[dreg:$0x4] =	wrdreg $0x102100  }
0xb1: {  	[dreg:$0x5] =	wrdreg $0x9  }
0xb2: {  	_ =	task.clear_ibuf [dreg:s7], $0x6FFFF;
	_ =	strace $0x90000046  }
0xb3: {  	s29 =	simm.s32 $0x9;
	_ =	strace $0x80000048  }
0xb4: {  	_ =	swait.ge [sflag:s29], $0x1  }
0xb5: {  	[sflag:s29] =	ssyncadd.s32 $0xFFFFFFFF  }
0xb6: {  	_ =	strace $0x90000048  }
0xb7: {  	_ =	sfence  }
0xb8: {  	s30 =	sld [smem:$0x0];
	_ =	sdelay $0x2  }
0xb9: {  	s31 =	sshll.u32 s1, $0xD;
	s1 =	sshrl.u32 s1, $0x2  }
0xba: {  	s3 =	sand.u32 $0x4000, s31;
	s1 =	sadd.s32 s1, s30  }
0xbb: {  	s0 =	sor.u32 s3, s0;
	s1 =	sshll.u32 s1, $0x11  }
0xbc: {  	s0 =	sor.u32 s1, s0  }
0xbd: {  	s0 =	sadd.s32 $0x8F2B, s0  }
0xbe: {  	[sflag:s0] =	ssyncadd.remote.s32 $0x1  }
0xbf: {  	_ =	sfence.sel $0xFFFF  }
0xc0: {  	[dreg:$0x0] =	wrdreg $0xFFFFFFFF;
	(pc) =	sbr.abs _section_cstart, $3  }
0xc1: {  	[dreg:$0x1] =	wrdreg $0xFFFFFFFF  }
0xc2: {  	_ =	task.clear_ibuf [dreg:s7], $0x2FFFF;
	_ =	strace $0x9FFFFFFF  }
0xc3: {  	(tm) =	ssettm $0x7FFFFFFF  }
tec
execute0_lowered:
.L_overlay_start_1:
0x0: {  	(tag) =	ssettag $0x1  }
0x1: {  	s1 =	rddreg [dreg:$0x0]  }
0x2: {  	s0 =	rddreg [dreg:$0x1]  }
0x3: {  	s2 =	rddreg [dreg:$0x2]  }
0x4: {  	s4 =	srdreg.scid;
	s6 =	stileid.u32  }
0x5: {  	s3 =	simm.s32 $0x0;
	s30 =	simm.s32 $0x5;
	s31 =	simm.s32 $0x9  }
0x6: {  	s28 =	simm.s32 $0x6;
	s29 =	simm.s32 $0xA;
	s17 =	simm.s32 $0x8  }
0x7: {  	s18 =	simm.s32 $0xC;
	s19 =	simm.s32 $0x0;
	s4 =	sand.u32 $0x1, s4  }
0x8: {  	s5 =	sshll.u32 s6, $0x1;
	[smem:$0x7FF] =	sst s3;
	s8 =	sadd.s32 $0x400200, s0  }
0x9: {  	s9 =	sadd.s32 $0x200, s0;
	s14 =	sadd.s32 $0x400E00, s0;
	p0 =	sne.s32 s6, $0x0  }
0xa: {  	s7 =	sor.u32 s4, s5;
	_ =	strace $0x80000047;
	[dreg:$0x4] =	wrdreg s9  }
0xb: {  	s4 =	ssub.s32 $0x2, s4;
	s9 =	simm.s32 $0x7;
	s5 =	sshll.u32 s7, $0x1  }
0xc: {  	s10 =	sshll.u32 s7, $0xA;
	s12 =	sshrl.u32 s4, $0x1;
	s20 =	sadd.s32 s5, s0  }
0xd: {  	s5 =	sshll.u32 s7, $0xD;
	s13 =	sadd.s32 s1, s10;
	s4 =	ssub.s32 s4, s12  }
0xe: {  	s12 =	simm.s32 $0xB;
	s11 =	sor.u32 $0x80, s5;
	s22 =	sadd.s32 $0x20, s13  }
0xf: {  	[dreg:$0x5] =	wrdreg s13;
	s23 =	sadd.s32 $0x30, s13;
	s13 =	sadd.s32 $0x400A00, s0  }
0x10: {  	s15 =	sor.u32 $0x300, s5;
	s16 =	sor.u32 $0x380, s5;
	[dreg:$0x7] =	wrdreg s22  }
0x11: {  	s25 =	sadd.s32 $0x600, s20;
	s26 =	smax.u32 s4, $0x1;
	[dreg:$0x8] =	wrdreg s23  }
0x12: {  	s0 =	sshrl.u32 @!p0 s2, $0x3;
	s20 =	simm.s32 $0x80;
	[dreg:$0xa] =	wrdreg s25  }
0x13: {  	s4 =	simm.s32 $0x4;
	s21 =	sshrl.u32 s11, $0x3;
	[dreg:$0xb] =	wrdreg s26  }
0x14: {  	s24 =	sshll.u32 s11, $0x3;
	[dreg:$0xc] =	wrdreg s0;
	s22 =	simm.s32 $0x180  }
0x15: {  	s0 =	simm.s32 $0x3;
	s10 =	sadd.s32 s1, s21;
	s21 =	simm.s32 $0x100  }
0x16: {  	[dreg:$0x6] =	wrdreg s10;
	s10 =	sshll.u32 s7, $0x10;
	s7 =	sadd.s32 s8, s24  }
0x17: {  	s11 =	sadd.s32 s8, s10;
	[dreg:$0x9] =	wrdreg s7;
	s8 =	simm.s32 $0x6200  }
.LBB2_1:
0x18: {  	[dreg:$0xd] =	wrdreg s19  }
0x19: {  	s7 =	rddreg [dreg:$0x4]  }
0x1a: {  	s6 =	simm.s32 @!p0 $0x1C0D;
	s19 =	rddreg [dreg:$0xc]  }
0x1b: {  	[spmem:s19], [sflag:s6] =	dma.local @!p0 [hbm:s7], $0x2A8  }
0x1c: {  	s6 =	simm.s32 @!p0 $0xD  }
0x1d: {  	_ =	swait.ge @!p0 [sflag:s6], $0x2A8  }
0x1e: {  	[sflag:s6] =	ssyncset.done @!p0 $0x0  }
0x1f: {  	[sflag:s6] =	ssyncadd.s32 @!p0 $0xFFFFFD58  }
0x20: {  	[bflag:$0x0] =	sbarrier.arrive $0xFFFF  }
0x21: {  	s19 =	rddreg [dreg:$0x5]  }
0x22: {  	[tilespmem:s3], [sflag:$0x1] =	stream.linear.gather [hbm4b:s19+s3], $0x80, $0x38;
	[tilespmem:$0x10368] =	vst v63  }
0x23: {  	s23 =	rddreg [dreg:$0x6]  }
0x24: {  	[tilespmem:s20], [sflag:$0x2] =	stream.linear.gather [hbm4b:s23+s3], $0x80, $0x38;
	[tilespmem:$0x10368] =	vst v63  }
0x25: {  	s24 =	rddreg [dreg:$0x7]  }
0x26: {  	[tilespmem:s21], [sflag:$0x3] =	stream.linear.gather [hbm4b:s24+s3], $0x80, $0x38;
	[tilespmem:$0x10368] =	vst v63  }
0x27: {  	s26 =	simm.s32 $0x1;
	s25 =	rddreg [dreg:$0x8]  }
0x28: {  	[tilespmem:s22], [sflag:$0x4] =	stream.linear.gather [hbm4b:s25+s3], $0x80, $0x38;
	[tilespmem:$0x10368] =	vst v63  }
0x29: {  	_ =	swait.ge [sflag:s26], $0x80  }
0x2a: {  	[sflag:s26] =	ssyncset.done $0x0  }
0x2b: {  	s7 =	simm.s32 $0x8200;
	[sflag:s26] =	ssyncadd.s32 $0xFFFFFF80  }
0x2c: {  	[tilespmem:s7], [sflag:$0x5] =	stream.indirect.gather [spmem:s2], $0x40, s3, s20, $0xb8;
	[tilespmem:$0x10368] =	vst v63  }
0x2d: {  	s19 =	simm.s32 $0x200;
	s23 =	simm.s32 $0x2  }
0x2e: {  	[tilespmem:s19], [sflag:$0x9] =	stream.linear.gather [hbm4b:s11+s3], $0x2000, $0x38;
	[tilespmem:$0x10368] =	vst v63  }
0x2f: {  	_ =	swait.ge [sflag:s23], $0x80  }
0x30: {  	[sflag:s23] =	ssyncset.done $0x0  }
0x31: {  	s24 =	simm.s32 $0xA200;
	[sflag:s23] =	ssyncadd.s32 $0xFFFFFF80  }
0x32: {  	[tilespmem:s24], [sflag:$0x6] =	stream.indirect.gather [spmem:s2], $0x40, s20, s20, $0xb8;
	[tilespmem:$0x10368] =	vst v63  }
0x33: {  	v2 =	vimm.f32 $0.0e+00;
	s26 =	simm.s32 $0x2200;
	s25 =	rddreg [dreg:$0x9];
	s23 =	simm.s32 $0x0  }
0x34: {  	v3 =	vimm.f32 $0.0e+00;
	v1 =	vimm.f32 $0.0e+00;
	v0 =	vimm.f32 $0.0e+00;
	[tilespmem:s26], [sflag:$0xA] =	stream.linear.gather [hbm4b:s25+s3], $0x2000, $0x38;
	[tilespmem:$0x10368] =	vst v63  }
.LBB2_2:
0x35: {  	_ =	swait.ge [sflag:s30], $0x2000  }
0x36: {  	[sflag:s30] =	ssyncset.done $0x0  }
0x37: {  	[sflag:s30] =	ssyncadd.s32 $0xFFFFE000  }
0x38: {  	_ =	swait.ge [sflag:s31], $0x2000  }
0x39: {  	[sflag:s31] =	ssyncset.done $0x0  }
0x3a: {  	[sflag:s31] =	ssyncadd.s32 $0xFFFFE000  }
0x3b: {  	_ =	swait.ge [sflag:s0], $0x80  }
0x3c: {  	[sflag:s0] =	ssyncset.done $0x0  }
0x3d: {  	s6 =	simm.s32 $0xC200;
	s26 =	sshll.u32 s23, $0xC;
	[sflag:s0] =	ssyncadd.s32 $0xFFFFFF80  }
0x3e: {  	[tilespmem:s6], [sflag:$0x7] =	stream.indirect.gather [spmem:s2], $0x40, s21, s20, $0xb8;
	[tilespmem:$0x10368] =	vst v63  }
0x3f: {  	s6 =	sadd.s32 s10, s26  }
0x40: {  	s19 =	simm.s32 $0x4200;
	s26 =	sshll.u32 s23, $0x2;
	s7 =	sadd.s32 s6, s13  }
0x41: {  	[tilespmem:s19], [sflag:$0xB] =	stream.linear.gather [hbm4b:s7+s3], $0x2000, $0x38;
	[tilespmem:$0x10368] =	vst v63  }
0x42: {  	p1 =	seq.s32 s23, $0xF;
	s19 =	sadd.s32 $0x4, s26  }
0x43: {  	s7 =	sshll.u32 @!p1 s19, $0x7  }
0x44: {  	s7 =	sadd.s32 @!p1 s5, s7  }
0x45: {  	s7 =	sshrl.u32 @!p1 s7, $0x3  }
0x46: {  	s24 =	simm.s32 @!p1 $0x0;
	s7 =	sadd.s32 @!p1 s1, s7  }
0x47: {  	[tilespmem:s24], [sflag:$0x1] =	stream.linear.gather @!p1 [hbm4b:s7+s24], $0x80, $0x38;
	[tilespmem:$0x10368] =	vst v63  }
0x48: {  	v4 =	vld [tilespmem:$0x8230]  }
0x49: {  	v5 =	vld [tilespmem:$0x8220]  }
0x4a: {  	v6 =	vld [tilespmem:$0x8210]  }
0x4b: {  	v7 =	vld [tilespmem:$0x8200]  }
0x4c: {  	v8 =	vld [tilespmem:$0x230]  }
0x4d: {  	v9 =	vld [tilespmem:$0x220]  }
0x4e: {  	v10 =	vld [tilespmem:$0x210]  }
0x4f: {  	s24 =	simm.s32 $0x0;
	v11 =	vld [tilespmem:$0x200]  }
0x50: {  	v12 =	vld [tilespmem:s24+$0x8270]  }
0x51: {  	v13 =	vld [tilespmem:s24+$0x270];
	_ =	sdelay $0x1  }
0x52: {  	v8 =	vsub.f32 v8, v4;
	v9 =	vsub.f32 v9, v5;
	v4 =	vld [tilespmem:s24+$0x8260]  }
0x53: {  	v10 =	vsub.f32 v10, v6;
	v5 =	vld [tilespmem:s24+$0x8250]  }
0x54: {  	v14 =	vsub.f32 v11, v7;
	v6 =	vld [tilespmem:s24+$0x8240];
	v8 =	vmul.f32 v8, v8;
	v15 =	vmul.f32 v9, v9  }
0x55: {  	v7 =	vld [tilespmem:s24+$0x260];
	v11 =	vsub.f32 v13, v12;
	v10 =	vmul.f32 v10, v10  }
0x56: {  	s25 =	simm.s32 $0x100;
	s7 =	simm.s32 $0x200;
	v9 =	vmul.f32 v14, v14;
	v2 =	vadd.f32 v8, v2;
	v3 =	vadd.f32 v15, v3;
	v8 =	vld [tilespmem:s24+$0x250]  }
.LBB2_3:
0x57: {  	p2 =	sne.s32 s7, $0x7E00;
	v1 =	vadd.f32 v10, v1;
	v10 =	vld [tilespmem:s24+$0x240];
	s24 =	sshra.s32 s25, $0x2;
	s25 =	smov.u32 s7  }
0x58: {  	v11 =	vmul.f32 v11, v11;
	v12 =	vld [tilespmem:s24+$0x8270];
	v0 =	vadd.f32 v9, v0  }
0x59: {  	v9 =	vld [tilespmem:s24+$0x270]  }
.Ltmp0:
0x5a: {  	v7 =	vsub.f32 v7, v4;
	v2 =	vadd.f32 v11, v2;
	v4 =	vld [tilespmem:s24+$0x8260];
	(pc) =	sbr.rel @p2 .LBB2_3-.Ltmp0, $4  }
0x5b: {  	v8 =	vsub.f32 v8, v5;
	v5 =	vld [tilespmem:s24+$0x8250]  }
0x5c: {  	v13 =	vsub.f32 v10, v6;
	v14 =	vmul.f32 v7, v7;
	v6 =	vld [tilespmem:s24+$0x8240]  }
0x5d: {  	v10 =	vmul.f32 v8, v8;
	v7 =	vld [tilespmem:s24+$0x260]  }
0x5e: {  	s7 =	sadd.s32 $0x100, s7;
	v11 =	vsub.f32 v9, v12;
	v9 =	vmul.f32 v13, v13;
	v3 =	vadd.f32 v14, v3;
	v8 =	vld [tilespmem:s24+$0x250]  }
0x5f: {  	s7 =	sshra.s32 s25, $0x2;
	v12 =	vld [tilespmem:s24+$0x240]  }
0x60: {  	v13 =	vld [tilespmem:s7+$0x8270]  }
0x61: {  	v14 =	vld [tilespmem:s7+$0x270]  }
0x62: {  	v15 =	vld [tilespmem:s7+$0x8260]  }
0x63: {  	v16 =	vld [tilespmem:s7+$0x8250]  }
0x64: {  	v17 =	vld [tilespmem:s7+$0x8240]  }
0x65: {  	v18 =	vld [tilespmem:s7+$0x260]  }
0x66: {  	v19 =	vld [tilespmem:s7+$0x250]  }
0x67: {  	v20 =	vld [tilespmem:s7+$0x240];
	_ =	swait.ge [sflag:s28], $0x2000  }
0x68: {  	[sflag:s28] =	ssyncset.done $0x0  }
0x69: {  	[sflag:s28] =	ssyncadd.s32 $0xFFFFE000  }
0x6a: {  	_ =	swait.ge [sflag:s29], $0x2000  }
0x6b: {  	[sflag:s29] =	ssyncset.done $0x0  }
0x6c: {  	[sflag:s29] =	ssyncadd.s32 $0xFFFFE000  }
0x6d: {  	_ =	swait.ge [sflag:s4], $0x80  }
0x6e: {  	[sflag:s4] =	ssyncset.done $0x0  }
0x6f: {  	s25 =	simm.s32 $0xE200;
	[sflag:s4] =	ssyncadd.s32 $0xFFFFFF80  }
0x70: {  	[tilespmem:s25], [sflag:$0x8] =	stream.indirect.gather [spmem:s2], $0x40, s22, s20, $0xb8;
	[tilespmem:$0x10368] =	vst v63  }
0x71: {  	s6 =	sadd.s32 s6, s14;
	s26 =	sadd.s32 $0x5, s26  }
0x72: {  	[tilespmem:s8], [sflag:$0xC] =	stream.linear.gather [hbm4b:s6+s3], $0x2000, $0x38;
	[tilespmem:$0x10368] =	vst v63  }
0x73: {  	s6 =	sshll.u32 @!p1 s26, $0x7  }
0x74: {  	s6 =	sadd.s32 @!p1 s5, s6  }
0x75: {  	s6 =	sshrl.u32 @!p1 s6, $0x3  }
0x76: {  	s24 =	simm.s32 @!p1 $0x80;
	s7 =	simm.s32 @!p1 $0x0;
	s6 =	sadd.s32 @!p1 s1, s6  }
0x77: {  	[tilespmem:s24], [sflag:$0x2] =	stream.linear.gather @!p1 [hbm4b:s6+s7], $0x80, $0x38;
	[tilespmem:$0x10368] =	vst v63  }
0x78: {  	v21 =	vld [tilespmem:$0xA230]  }
0x79: {  	v22 =	vld [tilespmem:$0xA220]  }
0x7a: {  	v4 =	vsub.f32 v7, v4;
	v7 =	vld [tilespmem:$0xA210]  }
0x7b: {  	v1 =	vadd.f32 v10, v1;
	v10 =	vmul.f32 v11, v11;
	v5 =	vsub.f32 v8, v5;
	v8 =	vld [tilespmem:$0xA200]  }
0x7c: {  	v0 =	vadd.f32 v9, v0;
	v6 =	vsub.f32 v12, v6;
	v4 =	vmul.f32 v4, v4;
	v9 =	vld [tilespmem:$0x2230]  }
0x7d: {  	v2 =	vadd.f32 v10, v2;
	v5 =	vmul.f32 v5, v5;
	v10 =	vsub.f32 v20, v17;
	v11 =	vld [tilespmem:$0x2220]  }
0x7e: {  	v6 =	vmul.f32 v6, v6;
	v3 =	vadd.f32 v4, v3;
	v4 =	vsub.f32 v14, v13;
	v58 =	vld [tilespmem:$0x2210]  }
0x7f: {  	v59 =	vadd.f32 v5, v1;
	v1 =	vmul.f32 v10, v10;
	s6 =	simm.s32 $0x0;
	v5 =	vld [tilespmem:$0x2200]  }
0x80: {  	v10 =	vsub.f32 v18, v15;
	v0 =	vadd.f32 v6, v0;
	v4 =	vmul.f32 v4, v4;
	v60 =	vld [tilespmem:s6+$0xA270]  }
0x81: {  	v6 =	vsub.f32 v19, v16;
	v61 =	vld [tilespmem:s6+$0x2270]  }
0x82: {  	v10 =	vmul.f32 v10, v10;
	v0 =	vadd.f32 v1, v0;
	v4 =	vadd.f32 v4, v2  }
0x83: {  	v1 =	vld [tilespmem:s6+$0xA260];
	v9 =	vsub.f32 v9, v21;
	v11 =	vsub.f32 v11, v22  }
0x84: {  	v6 =	vmul.f32 v6, v6;
	v62 =	vadd.f32 v10, v3;
	v2 =	vld [tilespmem:s6+$0xA250];
	v7 =	vsub.f32 v58, v7  }
0x85: {  	v8 =	vsub.f32 v5, v8;
	v5 =	vld [tilespmem:s6+$0xA240];
	v9 =	vmul.f32 v9, v9;
	v63 =	vmul.f32 v11, v11  }
0x86: {  	v6 =	vadd.f32 v6, v59;
	v10 =	vmul.f32 v7, v7;
	v7 =	vld [tilespmem:s6+$0x2260];
	v11 =	vsub.f32 v61, v60  }
0x87: {  	s24 =	simm.s32 $0x100;
	s7 =	simm.s32 $0x200;
	v3 =	vadd.f32 v9, v4;
	v9 =	vmul.f32 v8, v8;
	v4 =	vadd.f32 v63, v62;
	v8 =	vld [tilespmem:s6+$0x2250]  }
.LBB2_5:
0x88: {  	p2 =	sne.s32 s7, $0x7E00;
	v6 =	vadd.f32 v10, v6;
	v10 =	vld [tilespmem:s6+$0x2240];
	s6 =	sshra.s32 s24, $0x2;
	s24 =	smov.u32 s7  }
0x89: {  	v11 =	vmul.f32 v11, v11;
	v12 =	vld [tilespmem:s6+$0xA270];
	v0 =	vadd.f32 v9, v0  }
0x8a: {  	v9 =	vld [tilespmem:s6+$0x2270]  }
.Ltmp1:
0x8b: {  	v7 =	vsub.f32 v7, v1;
	v3 =	vadd.f32 v11, v3;
	v1 =	vld [tilespmem:s6+$0xA260];
	(pc) =	sbr.rel @p2 .LBB2_5-.Ltmp1, $4  }
0x8c: {  	v8 =	vsub.f32 v8, v2;
	v2 =	vld [tilespmem:s6+$0xA250]  }
0x8d: {  	v13 =	vsub.f32 v10, v5;
	v14 =	vmul.f32 v7, v7;
	v5 =	vld [tilespmem:s6+$0xA240]  }
0x8e: {  	v10 =	vmul.f32 v8, v8;
	v7 =	vld [tilespmem:s6+$0x2260]  }
0x8f: {  	s7 =	sadd.s32 $0x100, s7;
	v11 =	vsub.f32 v9, v12;
	v9 =	vmul.f32 v13, v13;
	v4 =	vadd.f32 v14, v4;
	v8 =	vld [tilespmem:s6+$0x2250]  }
0x90: {  	s7 =	sshra.s32 s24, $0x2;
	v12 =	vld [tilespmem:s6+$0x2240]  }
0x91: {  	v13 =	vld [tilespmem:s7+$0xA270]  }
0x92: {  	v14 =	vld [tilespmem:s7+$0x2270]  }
0x93: {  	v15 =	vld [tilespmem:s7+$0xA260]  }
0x94: {  	v16 =	vld [tilespmem:s7+$0xA250]  }
0x95: {  	v17 =	vld [tilespmem:s7+$0xA240]  }
0x96: {  	v18 =	vld [tilespmem:s7+$0x2260]  }
0x97: {  	v19 =	vld [tilespmem:s7+$0x2250]  }
0x98: {  	v20 =	vld [tilespmem:s7+$0x2240];
	_ =	swait.ge [sflag:s9], $0x2000  }
0x99: {  	[sflag:s9] =	ssyncset.done $0x0  }
0x9a: {  	[sflag:s9] =	ssyncadd.s32 $0xFFFFE000  }
0x9b: {  	_ =	swait.ge [sflag:s12], $0x2000  }
0x9c: {  	[sflag:s12] =	ssyncset.done $0x0  }
0x9d: {  	s6 =	simm.s32 @!p1 $0x1;
	[sflag:s12] =	ssyncadd.s32 $0xFFFFE000  }
0x9e: {  	_ =	swait.ge @!p1 [sflag:s6], $0x80  }
0x9f: {  	s24 =	simm.s32 @!p1 $0x8200;
	[sflag:s6] =	ssyncset.done @!p1 $0x0  }
0xa0: {  	s7 =	simm.s32 @!p1 $0x0;
	[sflag:s6] =	ssyncadd.s32 @!p1 $0xFFFFFF80;
	s6 =	simm.s32 @!p1 $0x80  }
0xa1: {  	[tilespmem:s24], [sflag:$0x5] =	stream.indirect.gather @!p1 [spmem:s2], $0x40, s7, s6, $0xb8;
	[tilespmem:$0x10368] =	vst v63  }
0xa2: {  	s6 =	sshll.u32 @!p1 s19, $0xA  }
0xa3: {  	s19 =	simm.s32 @!p1 $0x200;
	s6 =	sadd.s32 @!p1 s6, s11  }
0xa4: {  	[tilespmem:s19], [sflag:$0x9] =	stream.linear.gather @!p1 [hbm4b:s6+s7], $0x2000, $0x38;
	[tilespmem:$0x10368] =	vst v63  }
0xa5: {  	s19 =	sshll.u32 @!p1 s23, $0x9  }
0xa6: {  	s6 =	sadd.s32 @!p1 s19, s15  }
0xa7: {  	s6 =	sshrl.u32 @!p1 s6, $0x3  }
0xa8: {  	s24 =	simm.s32 @!p1 $0x100;
	s6 =	sadd.s32 @!p1 s1, s6  }
0xa9: {  	[tilespmem:s24], [sflag:$0x3] =	stream.linear.gather @!p1 [hbm4b:s6+s7], $0x80, $0x38;
	[tilespmem:$0x10368] =	vst v63  }
0xaa: {  	v21 =	vld [tilespmem:$0xC230]  }
0xab: {  	v22 =	vld [tilespmem:$0xC220]  }
0xac: {  	v6 =	vadd.f32 v10, v6;
	v1 =	vsub.f32 v7, v1;
	v7 =	vld [tilespmem:$0xC210]  }
0xad: {  	v10 =	vmul.f32 v11, v11;
	v2 =	vsub.f32 v8, v2;
	v5 =	vsub.f32 v12, v5;
	v8 =	vld [tilespmem:$0xC200]  }
0xae: {  	v0 =	vadd.f32 v9, v0;
	v1 =	vmul.f32 v1, v1;
	v9 =	vld [tilespmem:$0x4230]  }
0xaf: {  	v3 =	vadd.f32 v10, v3;
	v5 =	vmul.f32 v5, v5;
	v11 =	vld [tilespmem:$0x4220]  }
0xb0: {  	v2 =	vmul.f32 v2, v2;
	v10 =	vsub.f32 v20, v17;
	v4 =	vadd.f32 v1, v4;
	v59 =	vld [tilespmem:$0x4210]  }
0xb1: {  	v1 =	vsub.f32 v14, v13;
	v0 =	vadd.f32 v5, v0;
	v5 =	vld [tilespmem:$0x4200]  }
0xb2: {  	v60 =	vsub.f32 v18, v15;
	v6 =	vadd.f32 v2, v6;
	v2 =	vmul.f32 v10, v10;
	s6 =	simm.s32 $0x0  }
0xb3: {  	v10 =	vsub.f32 v19, v16;
	v1 =	vmul.f32 v1, v1;
	v61 =	vld [tilespmem:s6+$0xC270]  }
0xb4: {  	v13 =	vmul.f32 v60, v60;
	v0 =	vadd.f32 v2, v0;
	v2 =	vsub.f32 v9, v21;
	v9 =	vld [tilespmem:s6+$0x4270]  }
0xb5: {  	v10 =	vmul.f32 v10, v10;
	v3 =	vadd.f32 v1, v3;
	v1 =	vld [tilespmem:s6+$0xC260];
	v11 =	vsub.f32 v11, v22  }
0xb6: {  	v7 =	vsub.f32 v59, v7;
	v8 =	vsub.f32 v5, v8;
	v5 =	vld [tilespmem:s6+$0xC240];
	v62 =	vmul.f32 v2, v2  }
0xb7: {  	v4 =	vadd.f32 v13, v4;
	v2 =	vld [tilespmem:s6+$0xC250];
	v63 =	vmul.f32 v11, v11  }
0xb8: {  	v6 =	vadd.f32 v10, v6;
	v10 =	vmul.f32 v7, v7;
	v7 =	vld [tilespmem:s6+$0x4260];
	v3 =	vadd.f32 v62, v3  }
0xb9: {  	s24 =	simm.s32 $0x100;
	s7 =	simm.s32 $0x200;
	v4 =	vadd.f32 v63, v4;
	v11 =	vsub.f32 v9, v61;
	v9 =	vmul.f32 v8, v8;
	v8 =	vld [tilespmem:s6+$0x4250]  }
.LBB2_7:
0xba: {  	p2 =	sne.s32 s7, $0x7E00;
	v6 =	vadd.f32 v10, v6;
	v10 =	vld [tilespmem:s6+$0x4240];
	s6 =	sshra.s32 s24, $0x2;
	s24 =	smov.u32 s7  }
0xbb: {  	v11 =	vmul.f32 v11, v11;
	v12 =	vld [tilespmem:s6+$0xC270];
	v0 =	vadd.f32 v9, v0  }
0xbc: {  	v9 =	vld [tilespmem:s6+$0x4270]  }
.Ltmp2:
0xbd: {  	v7 =	vsub.f32 v7, v1;
	v3 =	vadd.f32 v11, v3;
	v1 =	vld [tilespmem:s6+$0xC260];
	(pc) =	sbr.rel @p2 .LBB2_7-.Ltmp2, $4  }
0xbe: {  	v8 =	vsub.f32 v8, v2;
	v2 =	vld [tilespmem:s6+$0xC250]  }
0xbf: {  	v13 =	vsub.f32 v10, v5;
	v14 =	vmul.f32 v7, v7;
	v5 =	vld [tilespmem:s6+$0xC240]  }
0xc0: {  	v10 =	vmul.f32 v8, v8;
	v7 =	vld [tilespmem:s6+$0x4260]  }
0xc1: {  	s7 =	sadd.s32 $0x100, s7;
	v11 =	vsub.f32 v9, v12;
	v9 =	vmul.f32 v13, v13;
	v4 =	vadd.f32 v14, v4;
	v8 =	vld [tilespmem:s6+$0x4250]  }
0xc2: {  	s7 =	sshra.s32 s24, $0x2;
	v12 =	vld [tilespmem:s6+$0x4240]  }
0xc3: {  	v13 =	vld [tilespmem:s7+$0xC270]  }
0xc4: {  	v14 =	vld [tilespmem:s7+$0x4270]  }
0xc5: {  	v15 =	vld [tilespmem:s7+$0xC260]  }
0xc6: {  	v16 =	vld [tilespmem:s7+$0xC250]  }
0xc7: {  	v17 =	vld [tilespmem:s7+$0xC240]  }
0xc8: {  	v18 =	vld [tilespmem:s7+$0x4260]  }
0xc9: {  	v19 =	vld [tilespmem:s7+$0x4250]  }
0xca: {  	v20 =	vld [tilespmem:s7+$0x4240];
	_ =	swait.ge [sflag:s17], $0x2000  }
0xcb: {  	[sflag:s17] =	ssyncset.done $0x0  }
0xcc: {  	[sflag:s17] =	ssyncadd.s32 $0xFFFFE000  }
0xcd: {  	_ =	swait.ge [sflag:s18], $0x2000  }
0xce: {  	[sflag:s18] =	ssyncset.done $0x0  }
0xcf: {  	s6 =	simm.s32 @!p1 $0x2;
	[sflag:s18] =	ssyncadd.s32 $0xFFFFE000  }
0xd0: {  	_ =	swait.ge @!p1 [sflag:s6], $0x80  }
0xd1: {  	[sflag:s6] =	ssyncset.done @!p1 $0x0  }
0xd2: {  	s7 =	simm.s32 @!p1 $0xA200;
	[sflag:s6] =	ssyncadd.s32 @!p1 $0xFFFFFF80;
	s6 =	simm.s32 @!p1 $0x80  }
0xd3: {  	[tilespmem:s7], [sflag:$0x6] =	stream.indirect.gather @!p1 [spmem:s2], $0x40, s6, s6, $0xb8;
	[tilespmem:$0x10368] =	vst v63  }
0xd4: {  	s6 =	sshll.u32 @!p1 s26, $0xA  }
0xd5: {  	s24 =	simm.s32 @!p1 $0x2200;
	s7 =	simm.s32 @!p1 $0x0;
	s6 =	sadd.s32 @!p1 s6, s11  }
0xd6: {  	[tilespmem:s24], [sflag:$0xA] =	stream.linear.gather @!p1 [hbm4b:s6+s7], $0x2000, $0x38;
	[tilespmem:$0x10368] =	vst v63  }
0xd7: {  	s6 =	sadd.s32 @!p1 s19, s16  }
0xd8: {  	s6 =	sshrl.u32 @!p1 s6, $0x3  }
0xd9: {  	s19 =	simm.s32 @!p1 $0x180;
	s6 =	sadd.s32 @!p1 s1, s6  }
0xda: {  	[tilespmem:s19], [sflag:$0x4] =	stream.linear.gather @!p1 [hbm4b:s6+s7], $0x80, $0x38;
	[tilespmem:$0x10368] =	vst v63  }
0xdb: {  	v21 =	vld [tilespmem:$0xE230]  }
0xdc: {  	v22 =	vld [tilespmem:$0xE220]  }
0xdd: {  	v1 =	vsub.f32 v7, v1;
	v7 =	vld [tilespmem:$0xE210]  }
0xde: {  	v6 =	vadd.f32 v10, v6;
	v10 =	vmul.f32 v11, v11;
	v2 =	vsub.f32 v8, v2;
	v8 =	vld [tilespmem:$0xE200]  }
0xdf: {  	v0 =	vadd.f32 v9, v0;
	v5 =	vsub.f32 v12, v5;
	v1 =	vmul.f32 v1, v1;
	v9 =	vld [tilespmem:$0x6230]  }
0xe0: {  	v3 =	vadd.f32 v10, v3;
	v2 =	vmul.f32 v2, v2;
	v11 =	vld [tilespmem:$0x6220]  }
0xe1: {  	v10 =	vsub.f32 v20, v17;
	v5 =	vmul.f32 v5, v5;
	v4 =	vadd.f32 v1, v4;
	v57 =	vld [tilespmem:$0x6210]  }
0xe2: {  	v1 =	vsub.f32 v14, v13;
	v2 =	vadd.f32 v2, v6;
	s6 =	simm.s32 $0x0;
	v6 =	vld [tilespmem:$0x6200]  }
0xe3: {  	v0 =	vadd.f32 v5, v0;
	v5 =	vmul.f32 v10, v10;
	v59 =	vld [tilespmem:s6+$0xE270]  }
0xe4: {  	v58 =	vsub.f32 v18, v15;
	v10 =	vsub.f32 v19, v16;
	v1 =	vmul.f32 v1, v1;
	v60 =	vld [tilespmem:s6+$0x6270]  }
0xe5: {  	v0 =	vadd.f32 v5, v0;
	v5 =	vsub.f32 v9, v21  }
0xe6: {  	v3 =	vadd.f32 v1, v3;
	v1 =	vld [tilespmem:s6+$0xE260];
	v9 =	vmul.f32 v58, v58;
	v11 =	vsub.f32 v11, v22  }
0xe7: {  	v10 =	vmul.f32 v10, v10;
	v7 =	vsub.f32 v57, v7;
	v61 =	vmul.f32 v5, v5;
	v5 =	vld [tilespmem:s6+$0xE250]  }
0xe8: {  	v63 =	vsub.f32 v6, v8;
	v62 =	vadd.f32 v9, v4;
	v11 =	vmul.f32 v11, v11;
	v4 =	vld [tilespmem:s6+$0xE240]  }
0xe9: {  	v6 =	vadd.f32 v10, v2;
	v8 =	vsub.f32 v60, v59;
	v9 =	vmul.f32 v7, v7;
	v7 =	vld [tilespmem:s6+$0x6260]  }
0xea: {  	s19 =	simm.s32 $0x100;
	s7 =	simm.s32 $0x200;
	v10 =	vmul.f32 v63, v63;
	v3 =	vadd.f32 v61, v3;
	v2 =	vadd.f32 v11, v62;
	v11 =	vld [tilespmem:s6+$0x6250]  }
.LBB2_9:
0xeb: {  	p1 =	sne.s32 s7, $0x7E00;
	v6 =	vadd.f32 v9, v6;
	v9 =	vld [tilespmem:s6+$0x6240];
	s6 =	sshra.s32 s19, $0x2;
	s19 =	smov.u32 s7  }
0xec: {  	v8 =	vmul.f32 v8, v8;
	v12 =	vld [tilespmem:s6+$0xE270];
	v0 =	vadd.f32 v10, v0  }
0xed: {  	v10 =	vld [tilespmem:s6+$0x6270]  }
.Ltmp3:
0xee: {  	v7 =	vsub.f32 v7, v1;
	v3 =	vadd.f32 v8, v3;
	v1 =	vld [tilespmem:s6+$0xE260];
	(pc) =	sbr.rel @p1 .LBB2_9-.Ltmp3, $4  }
0xef: {  	v8 =	vsub.f32 v11, v5;
	v5 =	vld [tilespmem:s6+$0xE250]  }
0xf0: {  	v11 =	vsub.f32 v9, v4;
	v13 =	vmul.f32 v7, v7;
	v4 =	vld [tilespmem:s6+$0xE240]  }
0xf1: {  	v9 =	vmul.f32 v8, v8;
	v7 =	vld [tilespmem:s6+$0x6260]  }
0xf2: {  	s7 =	sadd.s32 $0x100, s7;
	v8 =	vsub.f32 v10, v12;
	v10 =	vmul.f32 v11, v11;
	v2 =	vadd.f32 v13, v2;
	v11 =	vld [tilespmem:s6+$0x6250]  }
0xf3: {  	s7 =	sshra.s32 s19, $0x2;
	v12 =	vld [tilespmem:s6+$0x6240]  }
0xf4: {  	v13 =	vld [tilespmem:s7+$0xE270]  }
0xf5: {  	v14 =	vld [tilespmem:s7+$0x6270]  }
0xf6: {  	v15 =	vld [tilespmem:s7+$0xE260]  }
0xf7: {  	v16 =	vld [tilespmem:s7+$0xE250]  }
0xf8: {  	v17 =	vld [tilespmem:s7+$0xE240]  }
0xf9: {  	v18 =	vld [tilespmem:s7+$0x6250]  }
0xfa: {  	v56 =	vld [tilespmem:s7+$0x6240]  }
0xfb: {  	v57 =	vld [tilespmem:s7+$0x6260];
	v5 =	vsub.f32 v11, v5  }
0xfc: {  	v6 =	vadd.f32 v9, v6;
	v0 =	vadd.f32 v10, v0;
	v8 =	vmul.f32 v8, v8  }
0xfd: {  	v1 =	vsub.f32 v7, v1;
	v4 =	vsub.f32 v12, v4;
	v5 =	vmul.f32 v5, v5  }
0xfe: {  	s23 =	sadd.s32 $0x1, s23;
	v58 =	vadd.f32 v8, v3;
	v59 =	vsub.f32 v18, v16  }
0xff: {  	p1 =	sne.s32 s23, $0x10;
	v4 =	vmul.f32 v4, v4;
	v3 =	vadd.f32 v5, v6;
	v5 =	vsub.f32 v56, v17  }
.Ltmp4:
0x100: {  	v1 =	vmul.f32 v1, v1;
	v60 =	vsub.f32 v57, v15;
	v61 =	vsub.f32 v14, v13;
	(pc) =	sbr.rel @p1 .LBB2_2-.Ltmp4, $4  }
0x101: {  	v0 =	vadd.f32 v4, v0;
	v4 =	vmul.f32 v5, v5;
	v5 =	vmul.f32 v59, v59  }
0x102: {  	v2 =	vadd.f32 v1, v2;
	v62 =	vmul.f32 v60, v60;
	v63 =	vmul.f32 v61, v61  }
0x103: {  	v0 =	vadd.f32 v4, v0;
	v1 =	vadd.f32 v5, v3  }
0x104: {  	v3 =	vadd.f32 v62, v2;
	v2 =	vadd.f32 v63, v58  }
0x105: {  	_ = 	snop  }
0x106: {  	v0 =	vadd.f32 v1, v0;
	v63 =	vadd.f32 v2, v3;
	_ =	sdelay $0x1  }
0x107: {  	v0 =	vadd.f32 v63, v0;
	_ =	sdelay $0x1  }
0x108: {  	s6 =	rddreg [dreg:$0xa];
	s7 =	simm.s32 $0x10200;
	s25 =	simm.s32 $0xE;
	[tilespmem:$0x10200] =	vst v0  }
0x109: {  	[hbm4b:s6+s3] =	stream.linear.scatter [tilespmem:s7], [sflag:$0xE], $0x10, $0x38;
	[tilespmem:$0x10368] =	vst v63  }
0x10a: {  	_ =	swait.ge [sflag:s25], $0x10  }
0x10b: {  	s19 =	rddreg [dreg:$0xd]  }
0x10c: {  	s26 =	rddreg [dreg:$0xb];
	s19 =	sadd.s32 $0x1, s19  }
0x10d: {  	p1 =	sne.s32 s19, s26  }
.Ltmp5:
0x10e: {  	_ = 	snop;
	(pc) =	sbr.rel @p1 .LBB2_1-.Ltmp5, $3  }
0x10f: {  	_ =	sdelay $0x1  }
0x110: {  	[sflag:s25] =	ssyncset.done $0x0  }
0x111: {  	[sflag:s25] =	ssyncadd.s32 $0xFFFFFFF0  }
0x112: {  	_ =	sfence.sel $0x180000  }
0x113: {  	[bflag:$0x0] =	sbarrier.arrive $0xFFFF  }
0x114: {  	_ =	strace $0x90000047  }
0x115: {  	[bflag:$0x2] =	sbarrier.arrive $0xFFFF  }
0x116: {  	s0 =	rddreg [dreg:$0x3]  }
0x117: {  	s0 =	sadd.s32 @!p0 $0x100000, s0  }
0x118: {  	[sflag:s0] =	ssyncadd.tile.s32 @!p0 $0x1;
	_ =	shalt  }
.Lfunc_end2:
_tile_overlayer_lowered:
.L_overlay_start_2:
0x119: {  	(tag) =	ssettag $0x2  }
0x11a: {  	s0 =	rddreg [dreg:$0x0];
	s2 =	stileid.u32  }
0x11b: {  	s1 =	rddreg [dreg:$0x1];
	p0 =	sne.s32 s2, $0x0  }
0x11c: {  	s3 =	rddreg [dreg:$0x2];
	[bflag:$0x3] =	sbarrier.arrive $0xFFFF;
	s2 =	simm.s32 @!p0 $0x1C0E  }
0x11d: {  	[timem:s3], [sflag:s2] =	dma.local @!p0 [hbm:s0], s1  }
0x11e: {  	s0 =	simm.s32 @!p0 $0xE  }
0x11f: {  	_ =	swait.ge @!p0 [sflag:s0], s1  }
0x120: {  	s1 =	ssub.s32 @!p0 $0x0, s1;
	[sflag:s0] =	ssyncset.done @!p0 $0x0  }
0x121: {  	[sflag:s0] =	ssyncadd.s32 @!p0 s1  }
0x122: {  	[bflag:$0x3] =	sbarrier.arrive $0xFFFF  }
0x123: {  	_ =	shalt  }

</sc_bundles>
